<compile_context>
chip_gen: v7x
topology: tpu7x:2x2x1
jax: 0.10.2.dev20260603
libtpu: 0.0.44.dev20260713+nightly
codegen_flags: <defaults>
</compile_context>

<pallas_src>
import jax
import jax.numpy as jnp
from jax import lax
from jax.experimental import pallas as pl
from jax.experimental.pallas import tpu as pltpu
from jax.experimental.pallas import tpu_sc as plsc

NUM_CLASS = 1000
MEM_SIZE = 64
D = 512
B = 16384
ROWS = NUM_CLASS * MEM_SIZE

_BB = 512
_SROWS = B // _BB

_NC = 2
_NS = 16
_NW = _NC * _NS
_EPT = B // _NS
_VPT = _EPT // 16
_RPW = ROWS // _NW
_CHUNK = 40
_NCHUNK = _RPW // _CHUNK
_DUMMY = ROWS
_STRIPE = 4016
_TSH = _NS * _STRIPE


def _prep_body(logits_ref, feat_ref, slot_ref, flat_ref, fnorm_ref):
    lg = logits_ref[...]
    m = jnp.max(lg, axis=0, keepdims=True)
    row = lax.broadcasted_iota(jnp.int32, lg.shape, 0)
    idx = jnp.min(jnp.where(lg == m, row, NUM_CLASS), axis=0)
    flat_ref[...] = (idx * MEM_SIZE + slot_ref[0, 0]).reshape(1, 1, _BB)
    x = feat_ref[...]
    s = jnp.sum(x * x, axis=1, keepdims=True)
    fnorm_ref[...] = x * lax.rsqrt(s)


def _sc_body(flat_hbm, feat_hbm, mem_hbm, out_hbm,
             flat8, ibuf, sfbuf, wloc, neg1, tbuf, rb0, rb1, tsh,
             sem_g0, sem_g1, sem_w0, sem_w1, sem_f):
    c = lax.axis_index("c")
    s = lax.axis_index("s")
    w = c * _NS + s
    lane = lax.iota(jnp.int32, 16)
    shift = jnp.minimum(lane + 1, 15)

    pltpu.sync_copy(flat_hbm.at[pl.ds(s * 8, 8)], flat8)

    def init_body(j, _):
        neg1[pl.ds(j * 16, 16)] = jnp.full((16,), -1, jnp.int32)
        return 0
    lax.fori_loop(0, _STRIPE // 16, init_body, 0)
    pltpu.sync_copy(neg1, tsh.at[pl.ds(s * _STRIPE, _STRIPE)])

    def dedup_body(j, _):
        f = flat8[j // 8, pl.ds((j % 8) * 16, 16)]
        i = s * _EPT + j * 16 + lane
        key = f * 16384 + i
        ks, _ = plsc.sort_key_val(key, key)
        fs = lax.shift_right_arithmetic(ks, 14)
        isort = lax.bitwise_and(ks, 16383)
        nxt = lax.gather(
            fs, shift.reshape(16, 1),
            lax.GatherDimensionNumbers(offset_dims=(), collapsed_slice_dims=(0,),
                                       start_index_map=(0,)),
            slice_sizes=(1,), mode=lax.GatherScatterMode.PROMISE_IN_BOUNDS)
        lastm = jnp.logical_or(nxt != fs, lane == 15)
        plsc.store_scatter(wloc, [fs], isort, mask=lastm)
        return 0
    lax.fori_loop(0, _VPT, dedup_body, 0)

    def live_body(j, _):
        f = flat8[j // 8, pl.ds((j % 8) * 16, 16)]
        i = s * _EPT + j * 16 + lane
        wv = plsc.load_gather(wloc, [f])
        live = wv == i
        sfbuf[j // 8, pl.ds((j % 8) * 16, 16)] = jnp.where(live, f, _DUMMY)
        ibuf[j // 8, pl.ds((j % 8) * 16, 16)] = i
        return 0
    lax.fori_loop(0, _VPT, live_body, 0)

    plsc.subcore_barrier()

    def round_body(r, _):
        @pl.when(s == r)
        def _():
            for r8 in range(8):
                pltpu.async_copy(ibuf.at[r8], tsh.at[sfbuf.at[r8]], sem_f)
            for r8 in range(8):
                pltpu.make_async_copy(ibuf.at[r8], tsh.at[sfbuf.at[r8]],
                                      sem_f).wait()
        plsc.subcore_barrier()
        return 0
    lax.fori_loop(0, _NS, round_body, 0)

    base = w * _RPW
    pltpu.sync_copy(tsh.at[pl.ds(base, _RPW)], tbuf)

    def gather_issue(k, rb, sem):
        pltpu.async_copy(mem_hbm.at[pl.ds(base + k * _CHUNK, _CHUNK)],
                         rb, sem)

    def group_fix(k, goff, valid_lo, rb):
        tv = tbuf[pl.ds(k * _CHUNK + goff, 16)]
        has0 = jnp.logical_and(tv >= 0, lane >= valid_lo)

        def fcond(st):
            has, _ = st
            return jnp.any(has)

        def fbody(st):
            has, cnt = st
            l = jnp.max(plsc.all_reduce_ffs(has))
            g = jnp.max(jnp.where(lane == l, tv, -1))
            pltpu.async_copy(feat_hbm.at[pl.ds(g, 1)],
                             rb.at[pl.ds(goff + l, 1)], sem_f)
            return jnp.logical_and(has, lane != l), cnt + 1

        _, cnt = lax.while_loop(fcond, fbody, (has0, jnp.int32(0)))
        return cnt

    def process_chunk(k, rb, sem_g, sem_w):
        pltpu.make_async_copy(mem_hbm.at[pl.ds(0, _CHUNK)], rb, sem_g).wait()
        cnt = group_fix(k, 0, 0, rb)
        cnt = cnt + group_fix(k, 16, 0, rb)
        cnt = cnt + group_fix(k, 24, 8, rb)

        def drain_body(t, _):
            pltpu.make_async_copy(feat_hbm.at[pl.ds(0, 1)],
                                  rb.at[pl.ds(0, 1)], sem_f).wait()
            return 0
        lax.fori_loop(0, cnt, drain_body, 0)
        pltpu.async_copy(rb, out_hbm.at[pl.ds(base + k * _CHUNK, _CHUNK)],
                         sem_w)

        @pl.when(k + 2 < _NCHUNK)
        def _():
            pltpu.make_async_copy(rb, out_hbm.at[pl.ds(base, _CHUNK)],
                                  sem_w).wait()
            gather_issue(k + 2, rb, sem_g)

    gather_issue(0, rb0, sem_g0)
    gather_issue(1, rb1, sem_g1)

    def pair_body(kk, _):
        process_chunk(kk * 2, rb0, sem_g0, sem_w0)
        process_chunk(kk * 2 + 1, rb1, sem_g1, sem_w1)
        return 0
    lax.fori_loop(0, _NCHUNK // 2, pair_body, 0)
    pltpu.make_async_copy(rb0, out_hbm.at[pl.ds(base, _CHUNK)], sem_w0).wait()
    pltpu.make_async_copy(rb1, out_hbm.at[pl.ds(base, _CHUNK)], sem_w1).wait()


@jax.jit
def kernel(image_feature_memory, logits, image_features, slot_idx):
    slot3d = slot_idx.reshape(_SROWS, 1, _BB)
    flat3d, fnorm = pl.pallas_call(
        _prep_body,
        grid=(_SROWS,),
        in_specs=[
            pl.BlockSpec((NUM_CLASS, _BB), lambda i: (0, i)),
            pl.BlockSpec((_BB, D), lambda i: (i, 0)),
            pl.BlockSpec((1, 1, _BB), lambda i: (i, 0, 0)),
        ],
        out_specs=[
            pl.BlockSpec((1, 1, _BB), lambda i: (i, 0, 0)),
            pl.BlockSpec((_BB, D), lambda i: (i, 0)),
        ],
        out_shape=[
            jax.ShapeDtypeStruct((_SROWS, 1, _BB), jnp.int32),
            jax.ShapeDtypeStruct((B, D), jnp.float32),
        ],
    )(logits.T, image_features, slot3d)
    flat2d = flat3d.reshape(B // 128, 128)

    sc = pl.kernel(
        _sc_body,
        out_type=jax.ShapeDtypeStruct((ROWS, D), jnp.float32),
        mesh=plsc.VectorSubcoreMesh(core_axis_name="c", subcore_axis_name="s"),
        compiler_params=pltpu.CompilerParams(needs_layout_passes=False),
        scratch_types=[
            pltpu.VMEM((8, 128), jnp.int32),
            pltpu.VMEM((8, 128), jnp.int32),
            pltpu.VMEM((8, 128), jnp.int32),
            pltpu.VMEM((ROWS,), jnp.int32),
            pltpu.VMEM((_STRIPE,), jnp.int32),
            pltpu.VMEM((_RPW,), jnp.int32),
            pltpu.VMEM((_CHUNK, D), jnp.float32),
            pltpu.VMEM((_CHUNK, D), jnp.float32),
            pltpu.VMEM_SHARED((_TSH,), jnp.int32),
            pltpu.SemaphoreType.DMA,
            pltpu.SemaphoreType.DMA,
            pltpu.SemaphoreType.DMA,
            pltpu.SemaphoreType.DMA,
            pltpu.SemaphoreType.DMA,
        ],
    )
    return sc(flat2d, fnorm, image_feature_memory)

# --- scband reference (transcript-rebuilt; emitter-appended) ---
"""Pipeline reference for scband-cliptta-44796508897392 (READ-ONLY COPY).

The authoritative reference and input builder live on the scoring server;
editing this copy changes nothing except your own understanding.
"""

import jax, jax.numpy as jnp
import numpy as np

NUM_CLASS = 1000
MEM_SIZE = 64
D = 512
B = 16384


def setup_inputs(seed: int = 0) -> dict:
    key = jax.random.key(seed)
    k1, k2, k3, k4 = jax.random.split(key, 4)
    return {
        "image_feature_memory": jax.random.normal(k1, (NUM_CLASS * MEM_SIZE, D), dtype=jnp.float32),
        "logits": jax.random.normal(k2, (B, NUM_CLASS), dtype=jnp.float32),
        "image_features": jax.random.normal(k3, (B, D), dtype=jnp.float32),
        "slot_idx": jax.random.randint(k4, (B,), 0, MEM_SIZE, dtype=jnp.int32),
    }


def reference(image_feature_memory, logits, image_features, slot_idx):
    # Batched version of CLIPTTA.update_memory_bank ('global_feat' path):
    # prob = outputs.softmax(dim=1); pseudo_label = argmax(mean prob);
    # selected feature is L2-normalized and written (scatter-overwrite) into
    # image_feature_memory[pseudo_label][slot].
    prob = jax.nn.softmax(logits, axis=1)
    pseudo_label = jnp.argmax(prob, axis=1)  # int32[B], pseudo label per write
    feat_norm = image_features / jnp.linalg.norm(image_features, axis=-1, keepdims=True)
    flat_idx = pseudo_label.astype(jnp.int32) * MEM_SIZE + slot_idx  # row in flattened [num_class*mem_size, D] bank
    mem_new = image_feature_memory.at[flat_idx].set(feat_norm)  # scatter-overwrite
    return mem_new

if __name__ == "__main__":
    import jax
    _d = setup_inputs()
    print(jax.jit(kernel)(*tuple(_d.values())))

</pallas_src>

<mosaic_0001>
#map = affine_map<(d0, d1) -> (0, 0)>
module attributes {stable_mosaic.version = 14 : i64} {
  func.func @_sc_body(%arg0: i32, %arg1: i32, %arg2: memref<128x128xi32, #tpu.memory_space<hbm>>, %arg3: memref<16384x512xf32, #tpu.memory_space<hbm>>, %arg4: memref<64000x512xf32, #tpu.memory_space<hbm>>, %arg5: memref<64000x512xf32, #tpu.memory_space<hbm>>, %arg6: memref<8x128xi32, #tpu.memory_space<vmem>>, %arg7: memref<8x128xi32, #tpu.memory_space<vmem>>, %arg8: memref<8x128xi32, #tpu.memory_space<vmem>>, %arg9: memref<64000xi32, #tpu.memory_space<vmem>>, %arg10: memref<4016xi32, #tpu.memory_space<vmem>>, %arg11: memref<2000xi32, #tpu.memory_space<vmem>>, %arg12: memref<40x512xf32, #tpu.memory_space<vmem>>, %arg13: memref<40x512xf32, #tpu.memory_space<vmem>>, %arg14: memref<64256xi32, #tpu.memory_space<vmem_shared>>, %arg15: memref<!tpu.dma_semaphore, #tpu.memory_space<semaphore_mem>>, %arg16: memref<!tpu.dma_semaphore, #tpu.memory_space<semaphore_mem>>, %arg17: memref<!tpu.dma_semaphore, #tpu.memory_space<semaphore_mem>>, %arg18: memref<!tpu.dma_semaphore, #tpu.memory_space<semaphore_mem>>, %arg19: memref<!tpu.dma_semaphore, #tpu.memory_space<semaphore_mem>>) attributes {dimension_semantics = [#tpu.dimension_semantics<core_parallel>, #tpu.dimension_semantics<subcore_parallel>], iteration_bounds = array<i64: 2, 16>, scalar_prefetch = 0 : i64, scratch_operands = 14 : i64, tpu.core_type = #tpu.core_type<sc_vector_subcore>, window_params = [{transform_indices = #map}, {transform_indices = #map}, {transform_indices = #map}, {transform_indices = #map}]} {
    %mul3A = arith.constant 16 : i32
    %mul3A_0 = arith.muli %arg0, %mul3A : i32
    %add3A = arith.addi %mul3A_0, %arg1 : i32
    %iota3A = tpu.iota {dimensions = array<i32: 0>} : vector<16xi32>
    %add3A_1 = arith.constant 1 : i32
    %add3A_2 = vector.broadcast %add3A_1 : i32 to vector<16xi32>
    %add3A_3 = arith.addi %iota3A, %add3A_2 : vector<16xi32>
    %min3A = arith.constant 15 : i32
    %min3A_4 = vector.broadcast %min3A : i32 to vector<16xi32>
    %min3A_5 = arith.minsi %add3A_3, %min3A_4 : vector<16xi32>
    %mul3A_6 = arith.constant 8 : i32
    %mul3A_7 = arith.muli %arg1, %mul3A_6 : i32
    "tpu.region"() ({
      %run_scoped3A = tpu.sem_alloc : memref<!tpu.dma_semaphore, #tpu.memory_space<semaphore_mem>>
      %dma_start3A_64 = arith.constant 0 : i32
      %dma_start3A_65 = tpu.memref_slice %arg2[%mul3A_7, %dma_start3A_64] : memref<128x128xi32, #tpu.memory_space<hbm>> -> memref<8x128xi32, #tpu.memory_space<hbm>>
      %dma_start3A_66 = arith.constant 0 : i32
      %dma_start3A_67 = tpu.memref_slice %arg2[%mul3A_7, %dma_start3A_66] : memref<128x128xi32, #tpu.memory_space<hbm>> -> memref<8x128xi32, #tpu.memory_space<hbm>>
      tpu.enqueue_dma source(%dma_start3A_67 : memref<8x128xi32, #tpu.memory_space<hbm>>) target(%arg6 : memref<8x128xi32, #tpu.memory_space<vmem>>) target_semaphore(%run_scoped3A : memref<!tpu.dma_semaphore, #tpu.memory_space<semaphore_mem>>)
      %dma_wait3A_68 = arith.constant 0 : i32
      %dma_wait3A_69 = tpu.memref_slice %arg2[%mul3A_7, %dma_wait3A_68] : memref<128x128xi32, #tpu.memory_space<hbm>> -> memref<8x128xi32, #tpu.memory_space<hbm>>
      %dma_wait3A_70 = arith.constant 0 : i32
      %dma_wait3A_71 = tpu.memref_slice %arg2[%mul3A_7, %dma_wait3A_70] : memref<128x128xi32, #tpu.memory_space<hbm>> -> memref<8x128xi32, #tpu.memory_space<hbm>>
      tpu.wait_dma2 semaphore(%run_scoped3A : memref<!tpu.dma_semaphore, #tpu.memory_space<semaphore_mem>>) src(%dma_wait3A_71 : memref<8x128xi32, #tpu.memory_space<hbm>>) dst(%arg6 : memref<8x128xi32, #tpu.memory_space<vmem>>)
      tpu.yield
    }) : () -> ()
    %scan3A = arith.constant 0 : i32
    %scan3A_8 = arith.constant 0 : i32
    %scan3A_9 = arith.constant 251 : i32
    %scan3A_10 = arith.addi %scan3A_8, %scan3A_9 : i32
    %scan3A_11 = arith.constant 1 : i32
    %scan3A_12 = scf.for %scan3A_64 = %scan3A_8 to %scan3A_10 step %scan3A_11 iter_args(%scan3A_65 = %scan3A) -> (i32)  : i32 {
      %broadcast_in_dim3A = arith.constant -1 : i32
      %broadcast_in_dim3A_66 = vector.broadcast %broadcast_in_dim3A : i32 to vector<16xi32>
      %mul3A_67 = arith.constant 16 : i32
      %mul3A_68 = arith.muli %scan3A_64, %mul3A_67 : i32
      %swap3A = arith.index_cast %mul3A_68 : i32 to index
      %swap3A_69 = tpu.vector_load %arg10[%swap3A] {strides = array<i32>} : memref<4016xi32, #tpu.memory_space<vmem>>, vector<16xi32>,
      tpu.vector_store %arg10[%swap3A], %broadcast_in_dim3A_66 {strides = array<i32>} : memref<4016xi32, #tpu.memory_space<vmem>>, vector<16xi32>,
      %scan3A_70 = arith.constant 0 : i32
      scf.yield %scan3A_70 : i32
    }
    %scan3A_13 = arith.constant 251 : i32
    %mul3A_14 = arith.constant 4016 : i32
    %mul3A_15 = arith.muli %arg1, %mul3A_14 : i32
    "tpu.region"() ({
      %run_scoped3A = tpu.sem_alloc : memref<!tpu.dma_semaphore, #tpu.memory_space<semaphore_mem>>
      %dma_start3A_64 = tpu.memref_slice %arg14[%mul3A_15] : memref<64256xi32, #tpu.memory_space<vmem_shared>> -> memref<4016xi32, #tpu.memory_space<vmem_shared>>
      %dma_start3A_65 = tpu.memref_slice %arg14[%mul3A_15] : memref<64256xi32, #tpu.memory_space<vmem_shared>> -> memref<4016xi32, #tpu.memory_space<vmem_shared>>
      tpu.enqueue_dma source(%arg10 : memref<4016xi32, #tpu.memory_space<vmem>>) target(%dma_start3A_65 : memref<4016xi32, #tpu.memory_space<vmem_shared>>) target_semaphore(%run_scoped3A : memref<!tpu.dma_semaphore, #tpu.memory_space<semaphore_mem>>)
      %dma_wait3A_66 = tpu.memref_slice %arg14[%mul3A_15] : memref<64256xi32, #tpu.memory_space<vmem_shared>> -> memref<4016xi32, #tpu.memory_space<vmem_shared>>
      %dma_wait3A_67 = tpu.memref_slice %arg14[%mul3A_15] : memref<64256xi32, #tpu.memory_space<vmem_shared>> -> memref<4016xi32, #tpu.memory_space<vmem_shared>>
      tpu.wait_dma2 semaphore(%run_scoped3A : memref<!tpu.dma_semaphore, #tpu.memory_space<semaphore_mem>>) src(%arg10 : memref<4016xi32, #tpu.memory_space<vmem>>) dst(%dma_wait3A_67 : memref<4016xi32, #tpu.memory_space<vmem_shared>>)
      tpu.yield
    }) : () -> ()
    %scan3A_16 = arith.constant 0 : i32
    %scan3A_17 = arith.constant 0 : i32
    %scan3A_18 = arith.constant 64 : i32
    %scan3A_19 = arith.addi %scan3A_17, %scan3A_18 : i32
    %scan3A_20 = arith.constant 1 : i32
    %scan3A_21 = scf.for %scan3A_64 = %scan3A_17 to %scan3A_19 step %scan3A_20 iter_args(%scan3A_65 = %scan3A_16) -> (i32)  : i32 {
      %jit3A = arith.constant 8 : i32
      %div3A = arith.divsi %scan3A_64, %jit3A : i32
      %sign3A = arith.constant 0 : i32
      %sign3A_66 = arith.cmpi sgt, %scan3A_64, %sign3A : i32
      %sign3A_67 = arith.extui %sign3A_66 : i1 to i32
      %sign3A_68 = arith.constant 0 : i32
      %sign3A_69 = arith.cmpi slt, %scan3A_64, %sign3A_68 : i32
      %sign3A_70 = arith.extui %sign3A_69 : i1 to i32
      %sign3A_71 = arith.subi %sign3A_67, %sign3A_70 : i32
      %sign3A_72 = arith.constant 0 : i32
      %sign3A_73 = arith.cmpi sgt, %jit3A, %sign3A_72 : i32
      %sign3A_74 = arith.extui %sign3A_73 : i1 to i32
      %sign3A_75 = arith.constant 0 : i32
      %sign3A_76 = arith.cmpi slt, %jit3A, %sign3A_75 : i32
      %sign3A_77 = arith.extui %sign3A_76 : i1 to i32
      %sign3A_78 = arith.subi %sign3A_74, %sign3A_77 : i32
      %ne3A = arith.cmpi ne, %sign3A_71, %sign3A_78 : i32
      %rem3A = arith.remsi %scan3A_64, %jit3A : i32
      %ne3A_79 = arith.constant 0 : i32
      %ne3A_80 = arith.cmpi ne, %rem3A, %ne3A_79 : i32
      %and3A = arith.andi %ne3A, %ne3A_80 : i1
      %sub3A = arith.constant 1 : i32
      %sub3A_81 = arith.subi %div3A, %sub3A : i32
      %select_n3A = arith.select %and3A, %sub3A_81, %div3A : i32
      %jit3A_82 = arith.constant 8 : i32
      %eq3A = arith.constant 0 : i32
      %eq3A_83 = arith.cmpi eq, %jit3A_82, %eq3A : i32
      %jit3A_84 = arith.constant 1 : i32
      %select_n3A_85 = arith.select %eq3A_83, %jit3A_84, %jit3A_82 : i32
      %rem3A_86 = arith.remsi %scan3A_64, %select_n3A_85 : i32
      %ne3A_87 = arith.constant 0 : i32
      %ne3A_88 = arith.cmpi ne, %rem3A_86, %ne3A_87 : i32
      %lt3A = arith.constant 0 : i32
      %lt3A_89 = arith.cmpi slt, %rem3A_86, %lt3A : i32
      %lt3A_90 = arith.constant 0 : i32
      %lt3A_91 = arith.cmpi slt, %select_n3A_85, %lt3A_90 : i32
      %ne3A_92 = arith.xori %lt3A_89, %lt3A_91 : i1
      %and3A_93 = arith.andi %ne3A_92, %ne3A_88 : i1
      %add3A_94 = arith.addi %rem3A_86, %select_n3A_85 : i32
      %select_n3A_95 = arith.select %and3A_93, %add3A_94, %rem3A_86 : i32
      %mul3A_96 = arith.constant 16 : i32
      %mul3A_97 = arith.muli %select_n3A_95, %mul3A_96 : i32
      %get3A = arith.index_cast %select_n3A : i32 to index
      %get3A_98 = arith.index_cast %mul3A_97 : i32 to index
      %get3A_99 = tpu.vector_load %arg6[%get3A, %get3A_98] {strides = array<i32>} : memref<8x128xi32, #tpu.memory_space<vmem>>, vector<16xi32>,
      %mul3A_100 = arith.constant 1024 : i32
      %mul3A_101 = arith.muli %arg1, %mul3A_100 : i32
      %mul3A_102 = arith.constant 16 : i32
      %mul3A_103 = arith.muli %scan3A_64, %mul3A_102 : i32
      %add3A_104 = arith.addi %mul3A_101, %mul3A_103 : i32
      %add3A_105 = vector.broadcast %add3A_104 : i32 to vector<16xi32>
      %add3A_106 = arith.addi %add3A_105, %iota3A : vector<16xi32>
      %mul3A_107 = arith.constant 16384 : i32
      %mul3A_108 = vector.broadcast %mul3A_107 : i32 to vector<16xi32>
      %mul3A_109 = arith.muli %get3A_99, %mul3A_108 : vector<16xi32>
      %add3A_110 = arith.addi %mul3A_109, %add3A_106 : vector<16xi32>
      %masked_sort3A = arith.constant dense<true> : vector<16xi1>
      %masked_sort3A_111 = arith.constant -2147483648 : i32
      %masked_sort3A_112 = vector.broadcast %masked_sort3A_111 : i32 to vector<16xi32>
      %masked_sort3A_113 = arith.xori %add3A_110, %masked_sort3A_112 : vector<16xi32>
      %masked_sort3A_114, %masked_sort3A_115, %masked_sort3A_116 = tpu.sort %masked_sort3A_113, %add3A_110 masked %masked_sort3A : (vector<16xi32>, vector<16xi32>, vector<16xi1>) -> (vector<16xi1>, vector<16xi32>, vector<16xi32>)
      %masked_sort3A_117 = arith.xori %masked_sort3A_115, %masked_sort3A_112 : vector<16xi32>
      %shift_right_arithmetic3A = arith.constant 14 : i32
      %shift_right_arithmetic3A_118 = vector.broadcast %shift_right_arithmetic3A : i32 to vector<16xi32>
      %shift_right_arithmetic3A_119 = arith.shrsi %masked_sort3A_117, %shift_right_arithmetic3A_118 : vector<16xi32>
      %and3A_120 = arith.constant 16383 : i32
      %and3A_121 = vector.broadcast %and3A_120 : i32 to vector<16xi32>
      %and3A_122 = arith.andi %masked_sort3A_117, %and3A_121 : vector<16xi32>
      %reshape3A = vector.shape_cast %min3A_5 : vector<16xi32> to vector<16x1xi32>
      %gather3A = vector.shape_cast %reshape3A : vector<16x1xi32> to vector<16xi32>
      %gather3A_123 = tpu.dynamic_gather %shift_right_arithmetic3A_119[%gather3A] in [0] : vector<16xi32>, vector<16xi32> -> vector<16xi32>
      %ne3A_124 = arith.cmpi ne, %gather3A_123, %shift_right_arithmetic3A_119 : vector<16xi32>
      %eq3A_125 = arith.constant 15 : i32
      %eq3A_126 = vector.broadcast %eq3A_125 : i32 to vector<16xi32>
      %eq3A_127 = arith.cmpi eq, %iota3A, %eq3A_126 : vector<16xi32>
      %or3A = arith.ori %ne3A_124, %eq3A_127 : vector<16xi1>
      tpu.vector_store_idx %arg9[%shift_right_arithmetic3A_119], %and3A_122 masked %or3A : memref<64000xi32, #tpu.memory_space<vmem>>[vector<16xi32>], vector<16xi32>, vector<16xi1>
      %scan3A_128 = arith.constant 0 : i32
      scf.yield %scan3A_128 : i32
    }
    %scan3A_22 = arith.constant 64 : i32
    %scan3A_23 = arith.constant 0 : i32
    %scan3A_24 = arith.constant 0 : i32
    %scan3A_25 = arith.constant 64 : i32
    %scan3A_26 = arith.addi %scan3A_24, %scan3A_25 : i32
    %scan3A_27 = arith.constant 1 : i32
    %scan3A_28 = scf.for %scan3A_64 = %scan3A_24 to %scan3A_26 step %scan3A_27 iter_args(%scan3A_65 = %scan3A_23) -> (i32)  : i32 {
      %jit3A = arith.constant 8 : i32
      %div3A = arith.divsi %scan3A_64, %jit3A : i32
      %sign3A = arith.constant 0 : i32
      %sign3A_66 = arith.cmpi sgt, %scan3A_64, %sign3A : i32
      %sign3A_67 = arith.extui %sign3A_66 : i1 to i32
      %sign3A_68 = arith.constant 0 : i32
      %sign3A_69 = arith.cmpi slt, %scan3A_64, %sign3A_68 : i32
      %sign3A_70 = arith.extui %sign3A_69 : i1 to i32
      %sign3A_71 = arith.subi %sign3A_67, %sign3A_70 : i32
      %sign3A_72 = arith.constant 0 : i32
      %sign3A_73 = arith.cmpi sgt, %jit3A, %sign3A_72 : i32
      %sign3A_74 = arith.extui %sign3A_73 : i1 to i32
      %sign3A_75 = arith.constant 0 : i32
      %sign3A_76 = arith.cmpi slt, %jit3A, %sign3A_75 : i32
      %sign3A_77 = arith.extui %sign3A_76 : i1 to i32
      %sign3A_78 = arith.subi %sign3A_74, %sign3A_77 : i32
      %ne3A = arith.cmpi ne, %sign3A_71, %sign3A_78 : i32
      %rem3A = arith.remsi %scan3A_64, %jit3A : i32
      %ne3A_79 = arith.constant 0 : i32
      %ne3A_80 = arith.cmpi ne, %rem3A, %ne3A_79 : i32
      %and3A = arith.andi %ne3A, %ne3A_80 : i1
      %sub3A = arith.constant 1 : i32
      %sub3A_81 = arith.subi %div3A, %sub3A : i32
      %select_n3A = arith.select %and3A, %sub3A_81, %div3A : i32
      %jit3A_82 = arith.constant 8 : i32
      %eq3A = arith.constant 0 : i32
      %eq3A_83 = arith.cmpi eq, %jit3A_82, %eq3A : i32
      %jit3A_84 = arith.constant 1 : i32
      %select_n3A_85 = arith.select %eq3A_83, %jit3A_84, %jit3A_82 : i32
      %rem3A_86 = arith.remsi %scan3A_64, %select_n3A_85 : i32
      %ne3A_87 = arith.constant 0 : i32
      %ne3A_88 = arith.cmpi ne, %rem3A_86, %ne3A_87 : i32
      %lt3A = arith.constant 0 : i32
      %lt3A_89 = arith.cmpi slt, %rem3A_86, %lt3A : i32
      %lt3A_90 = arith.constant 0 : i32
      %lt3A_91 = arith.cmpi slt, %select_n3A_85, %lt3A_90 : i32
      %ne3A_92 = arith.xori %lt3A_89, %lt3A_91 : i1
      %and3A_93 = arith.andi %ne3A_92, %ne3A_88 : i1
      %add3A_94 = arith.addi %rem3A_86, %select_n3A_85 : i32
      %select_n3A_95 = arith.select %and3A_93, %add3A_94, %rem3A_86 : i32
      %mul3A_96 = arith.constant 16 : i32
      %mul3A_97 = arith.muli %select_n3A_95, %mul3A_96 : i32
      %get3A = arith.index_cast %select_n3A : i32 to index
      %get3A_98 = arith.index_cast %mul3A_97 : i32 to index
      %get3A_99 = tpu.vector_load %arg6[%get3A, %get3A_98] {strides = array<i32>} : memref<8x128xi32, #tpu.memory_space<vmem>>, vector<16xi32>,
      %mul3A_100 = arith.constant 1024 : i32
      %mul3A_101 = arith.muli %arg1, %mul3A_100 : i32
      %mul3A_102 = arith.constant 16 : i32
      %mul3A_103 = arith.muli %scan3A_64, %mul3A_102 : i32
      %add3A_104 = arith.addi %mul3A_101, %mul3A_103 : i32
      %add3A_105 = vector.broadcast %add3A_104 : i32 to vector<16xi32>
      %add3A_106 = arith.addi %add3A_105, %iota3A : vector<16xi32>
      %gather3A = tpu.vector_load_idx %arg9[%get3A_99] : memref<64000xi32, #tpu.memory_space<vmem>>[vector<16xi32>], vector<16xi32>,
      %eq3A_107 = arith.cmpi eq, %gather3A, %add3A_106 : vector<16xi32>
      %jit3A_108 = arith.constant 64000 : i32
      %broadcast_in_dim3A = vector.broadcast %jit3A_108 : i32 to vector<16xi32>
      %select_n3A_109 = arith.select %eq3A_107, %get3A_99, %broadcast_in_dim3A : vector<16xi1>, vector<16xi32>
      %jit3A_110 = arith.constant 8 : i32
      %div3A_111 = arith.divsi %scan3A_64, %jit3A_110 : i32
      %sign3A_112 = arith.constant 0 : i32
      %sign3A_113 = arith.cmpi sgt, %scan3A_64, %sign3A_112 : i32
      %sign3A_114 = arith.extui %sign3A_113 : i1 to i32
      %sign3A_115 = arith.constant 0 : i32
      %sign3A_116 = arith.cmpi slt, %scan3A_64, %sign3A_115 : i32
      %sign3A_117 = arith.extui %sign3A_116 : i1 to i32
      %sign3A_118 = arith.subi %sign3A_114, %sign3A_117 : i32
      %sign3A_119 = arith.constant 0 : i32
      %sign3A_120 = arith.cmpi sgt, %jit3A_110, %sign3A_119 : i32
      %sign3A_121 = arith.extui %sign3A_120 : i1 to i32
      %sign3A_122 = arith.constant 0 : i32
      %sign3A_123 = arith.cmpi slt, %jit3A_110, %sign3A_122 : i32
      %sign3A_124 = arith.extui %sign3A_123 : i1 to i32
      %sign3A_125 = arith.subi %sign3A_121, %sign3A_124 : i32
      %ne3A_126 = arith.cmpi ne, %sign3A_118, %sign3A_125 : i32
      %rem3A_127 = arith.remsi %scan3A_64, %jit3A_110 : i32
      %ne3A_128 = arith.constant 0 : i32
      %ne3A_129 = arith.cmpi ne, %rem3A_127, %ne3A_128 : i32
      %and3A_130 = arith.andi %ne3A_126, %ne3A_129 : i1
      %sub3A_131 = arith.constant 1 : i32
      %sub3A_132 = arith.subi %div3A_111, %sub3A_131 : i32
      %select_n3A_133 = arith.select %and3A_130, %sub3A_132, %div3A_111 : i32
      %jit3A_134 = arith.constant 8 : i32
      %eq3A_135 = arith.constant 0 : i32
      %eq3A_136 = arith.cmpi eq, %jit3A_134, %eq3A_135 : i32
      %jit3A_137 = arith.constant 1 : i32
      %select_n3A_138 = arith.select %eq3A_136, %jit3A_137, %jit3A_134 : i32
      %rem3A_139 = arith.remsi %scan3A_64, %select_n3A_138 : i32
      %ne3A_140 = arith.constant 0 : i32
      %ne3A_141 = arith.cmpi ne, %rem3A_139, %ne3A_140 : i32
      %lt3A_142 = arith.constant 0 : i32
      %lt3A_143 = arith.cmpi slt, %rem3A_139, %lt3A_142 : i32
      %lt3A_144 = arith.constant 0 : i32
      %lt3A_145 = arith.cmpi slt, %select_n3A_138, %lt3A_144 : i32
      %ne3A_146 = arith.xori %lt3A_143, %lt3A_145 : i1
      %and3A_147 = arith.andi %ne3A_146, %ne3A_141 : i1
      %add3A_148 = arith.addi %rem3A_139, %select_n3A_138 : i32
      %select_n3A_149 = arith.select %and3A_147, %add3A_148, %rem3A_139 : i32
      %mul3A_150 = arith.constant 16 : i32
      %mul3A_151 = arith.muli %select_n3A_149, %mul3A_150 : i32
      %swap3A = arith.index_cast %select_n3A_133 : i32 to index
      %swap3A_152 = arith.index_cast %mul3A_151 : i32 to index
      %swap3A_153 = tpu.vector_load %arg8[%swap3A, %swap3A_152] {strides = array<i32>} : memref<8x128xi32, #tpu.memory_space<vmem>>, vector<16xi32>,
      tpu.vector_store %arg8[%swap3A, %swap3A_152], %select_n3A_109 {strides = array<i32>} : memref<8x128xi32, #tpu.memory_space<vmem>>, vector<16xi32>,
      %jit3A_154 = arith.constant 8 : i32
      %div3A_155 = arith.divsi %scan3A_64, %jit3A_154 : i32
      %sign3A_156 = arith.constant 0 : i32
      %sign3A_157 = arith.cmpi sgt, %scan3A_64, %sign3A_156 : i32
      %sign3A_158 = arith.extui %sign3A_157 : i1 to i32
      %sign3A_159 = arith.constant 0 : i32
      %sign3A_160 = arith.cmpi slt, %scan3A_64, %sign3A_159 : i32
      %sign3A_161 = arith.extui %sign3A_160 : i1 to i32
      %sign3A_162 = arith.subi %sign3A_158, %sign3A_161 : i32
      %sign3A_163 = arith.constant 0 : i32
      %sign3A_164 = arith.cmpi sgt, %jit3A_154, %sign3A_163 : i32
      %sign3A_165 = arith.extui %sign3A_164 : i1 to i32
      %sign3A_166 = arith.constant 0 : i32
      %sign3A_167 = arith.cmpi slt, %jit3A_154, %sign3A_166 : i32
      %sign3A_168 = arith.extui %sign3A_167 : i1 to i32
      %sign3A_169 = arith.subi %sign3A_165, %sign3A_168 : i32
      %ne3A_170 = arith.cmpi ne, %sign3A_162, %sign3A_169 : i32
      %rem3A_171 = arith.remsi %scan3A_64, %jit3A_154 : i32
      %ne3A_172 = arith.constant 0 : i32
      %ne3A_173 = arith.cmpi ne, %rem3A_171, %ne3A_172 : i32
      %and3A_174 = arith.andi %ne3A_170, %ne3A_173 : i1
      %sub3A_175 = arith.constant 1 : i32
      %sub3A_176 = arith.subi %div3A_155, %sub3A_175 : i32
      %select_n3A_177 = arith.select %and3A_174, %sub3A_176, %div3A_155 : i32
      %jit3A_178 = arith.constant 8 : i32
      %eq3A_179 = arith.constant 0 : i32
      %eq3A_180 = arith.cmpi eq, %jit3A_178, %eq3A_179 : i32
      %jit3A_181 = arith.constant 1 : i32
      %select_n3A_182 = arith.select %eq3A_180, %jit3A_181, %jit3A_178 : i32
      %rem3A_183 = arith.remsi %scan3A_64, %select_n3A_182 : i32
      %ne3A_184 = arith.constant 0 : i32
      %ne3A_185 = arith.cmpi ne, %rem3A_183, %ne3A_184 : i32
      %lt3A_186 = arith.constant 0 : i32
      %lt3A_187 = arith.cmpi slt, %rem3A_183, %lt3A_186 : i32
      %lt3A_188 = arith.constant 0 : i32
      %lt3A_189 = arith.cmpi slt, %select_n3A_182, %lt3A_188 : i32
      %ne3A_190 = arith.xori %lt3A_187, %lt3A_189 : i1
      %and3A_191 = arith.andi %ne3A_190, %ne3A_185 : i1
      %add3A_192 = arith.addi %rem3A_183, %select_n3A_182 : i32
      %select_n3A_193 = arith.select %and3A_191, %add3A_192, %rem3A_183 : i32
      %mul3A_194 = arith.constant 16 : i32
      %mul3A_195 = arith.muli %select_n3A_193, %mul3A_194 : i32
      %swap3A_196 = arith.index_cast %select_n3A_177 : i32 to index
      %swap3A_197 = arith.index_cast %mul3A_195 : i32 to index
      %swap3A_198 = tpu.vector_load %arg7[%swap3A_196, %swap3A_197] {strides = array<i32>} : memref<8x128xi32, #tpu.memory_space<vmem>>, vector<16xi32>,
      tpu.vector_store %arg7[%swap3A_196, %swap3A_197], %add3A_106 {strides = array<i32>} : memref<8x128xi32, #tpu.memory_space<vmem>>, vector<16xi32>,
      %scan3A_199 = arith.constant 0 : i32
      scf.yield %scan3A_199 : i32
    }
    %scan3A_29 = arith.constant 64 : i32
    %barrier3A = arith.constant 0 : index
    tpu.barrier barrier_id(%barrier3A)
    %scan3A_30 = arith.constant 0 : i32
    %scan3A_31 = arith.constant 0 : i32
    %scan3A_32 = arith.constant 16 : i32
    %scan3A_33 = arith.addi %scan3A_31, %scan3A_32 : i32
    %scan3A_34 = arith.constant 1 : i32
    %scan3A_35 = scf.for %scan3A_64 = %scan3A_31 to %scan3A_33 step %scan3A_34 iter_args(%scan3A_65 = %scan3A_30) -> (i32)  : i32 {
      %eq3A = arith.cmpi eq, %arg1, %scan3A_64 : i32
      %convert_element_type3A = arith.extui %eq3A : i1 to i32
      %cond3A = arith.constant 0 : i32
      %cond3A_66 = arith.cmpi ne, %convert_element_type3A, %cond3A : i32
      scf.if %cond3A_66 {
        %dma_start3A_69 = arith.constant 0 : i32
        %dma_start3A_70 = arith.constant 0 : i32
        %dma_start3A_71 = arith.constant 0 : i32
        %dma_start3A_72 = tpu.memref_slice %arg7[%dma_start3A_69, %dma_start3A_71] : memref<8x128xi32, #tpu.memory_space<vmem>> -> memref<1x128xi32, #tpu.memory_space<vmem>>
        %dma_start3A_73 = tpu.memref_squeeze %dma_start3A_72 : memref<1x128xi32, #tpu.memory_space<vmem>> -> memref<128xi32, #tpu.memory_space<vmem>>
        %dma_start3A_74 = arith.constant 0 : i32
        %dma_start3A_75 = tpu.memref_slice %arg8[%dma_start3A_70, %dma_start3A_74] : memref<8x128xi32, #tpu.memory_space<vmem>> -> memref<1x128xi32, #tpu.memory_space<vmem>>
        %dma_start3A_76 = tpu.memref_squeeze %dma_start3A_75 : memref<1x128xi32, #tpu.memory_space<vmem>> -> memref<128xi32, #tpu.memory_space<vmem>>
        %dma_start3A_77 = arith.constant 0 : i32
        %dma_start3A_78 = tpu.memref_slice %arg14[%dma_start3A_77] : memref<64256xi32, #tpu.memory_space<vmem_shared>> -> memref<64256xi32, #tpu.memory_space<vmem_shared>>
        tpu.enqueue_indirect_dma source(%dma_start3A_73 : memref<128xi32, #tpu.memory_space<vmem>>) target(%dma_start3A_78 : memref<64256xi32, #tpu.memory_space<vmem_shared>>) offsets(%dma_start3A_76 : memref<128xi32, #tpu.memory_space<vmem>>) semaphore(%arg19 : memref<!tpu.dma_semaphore, #tpu.memory_space<semaphore_mem>>)
        %dma_start3A_79 = arith.constant 1 : i32
        %dma_start3A_80 = arith.constant 1 : i32
        %dma_start3A_81 = arith.constant 0 : i32
        %dma_start3A_82 = tpu.memref_slice %arg7[%dma_start3A_79, %dma_start3A_81] : memref<8x128xi32, #tpu.memory_space<vmem>> -> memref<1x128xi32, #tpu.memory_space<vmem>>
        %dma_start3A_83 = tpu.memref_squeeze %dma_start3A_82 : memref<1x128xi32, #tpu.memory_space<vmem>> -> memref<128xi32, #tpu.memory_space<vmem>>
        %dma_start3A_84 = arith.constant 0 : i32
        %dma_start3A_85 = tpu.memref_slice %arg8[%dma_start3A_80, %dma_start3A_84] : memref<8x128xi32, #tpu.memory_space<vmem>> -> memref<1x128xi32, #tpu.memory_space<vmem>>
        %dma_start3A_86 = tpu.memref_squeeze %dma_start3A_85 : memref<1x128xi32, #tpu.memory_space<vmem>> -> memref<128xi32, #tpu.memory_space<vmem>>
        %dma_start3A_87 = arith.constant 0 : i32
        %dma_start3A_88 = tpu.memref_slice %arg14[%dma_start3A_87] : memref<64256xi32, #tpu.memory_space<vmem_shared>> -> memref<64256xi32, #tpu.memory_space<vmem_shared>>
        tpu.enqueue_indirect_dma source(%dma_start3A_83 : memref<128xi32, #tpu.memory_space<vmem>>) target(%dma_start3A_88 : memref<64256xi32, #tpu.memory_space<vmem_shared>>) offsets(%dma_start3A_86 : memref<128xi32, #tpu.memory_space<vmem>>) semaphore(%arg19 : memref<!tpu.dma_semaphore, #tpu.memory_space<semaphore_mem>>)
        %dma_start3A_89 = arith.constant 2 : i32
        %dma_start3A_90 = arith.constant 2 : i32
        %dma_start3A_91 = arith.constant 0 : i32
        %dma_start3A_92 = tpu.memref_slice %arg7[%dma_start3A_89, %dma_start3A_91] : memref<8x128xi32, #tpu.memory_space<vmem>> -> memref<1x128xi32, #tpu.memory_space<vmem>>
        %dma_start3A_93 = tpu.memref_squeeze %dma_start3A_92 : memref<1x128xi32, #tpu.memory_space<vmem>> -> memref<128xi32, #tpu.memory_space<vmem>>
        %dma_start3A_94 = arith.constant 0 : i32
        %dma_start3A_95 = tpu.memref_slice %arg8[%dma_start3A_90, %dma_start3A_94] : memref<8x128xi32, #tpu.memory_space<vmem>> -> memref<1x128xi32, #tpu.memory_space<vmem>>
        %dma_start3A_96 = tpu.memref_squeeze %dma_start3A_95 : memref<1x128xi32, #tpu.memory_space<vmem>> -> memref<128xi32, #tpu.memory_space<vmem>>
        %dma_start3A_97 = arith.constant 0 : i32
        %dma_start3A_98 = tpu.memref_slice %arg14[%dma_start3A_97] : memref<64256xi32, #tpu.memory_space<vmem_shared>> -> memref<64256xi32, #tpu.memory_space<vmem_shared>>
        tpu.enqueue_indirect_dma source(%dma_start3A_93 : memref<128xi32, #tpu.memory_space<vmem>>) target(%dma_start3A_98 : memref<64256xi32, #tpu.memory_space<vmem_shared>>) offsets(%dma_start3A_96 : memref<128xi32, #tpu.memory_space<vmem>>) semaphore(%arg19 : memref<!tpu.dma_semaphore, #tpu.memory_space<semaphore_mem>>)
        %dma_start3A_99 = arith.constant 3 : i32
        %dma_start3A_100 = arith.constant 3 : i32
        %dma_start3A_101 = arith.constant 0 : i32
        %dma_start3A_102 = tpu.memref_slice %arg7[%dma_start3A_99, %dma_start3A_101] : memref<8x128xi32, #tpu.memory_space<vmem>> -> memref<1x128xi32, #tpu.memory_space<vmem>>
        %dma_start3A_103 = tpu.memref_squeeze %dma_start3A_102 : memref<1x128xi32, #tpu.memory_space<vmem>> -> memref<128xi32, #tpu.memory_space<vmem>>
        %dma_start3A_104 = arith.constant 0 : i32
        %dma_start3A_105 = tpu.memref_slice %arg8[%dma_start3A_100, %dma_start3A_104] : memref<8x128xi32, #tpu.memory_space<vmem>> -> memref<1x128xi32, #tpu.memory_space<vmem>>
        %dma_start3A_106 = tpu.memref_squeeze %dma_start3A_105 : memref<1x128xi32, #tpu.memory_space<vmem>> -> memref<128xi32, #tpu.memory_space<vmem>>
        %dma_start3A_107 = arith.constant 0 : i32
        %dma_start3A_108 = tpu.memref_slice %arg14[%dma_start3A_107] : memref<64256xi32, #tpu.memory_space<vmem_shared>> -> memref<64256xi32, #tpu.memory_space<vmem_shared>>
        tpu.enqueue_indirect_dma source(%dma_start3A_103 : memref<128xi32, #tpu.memory_space<vmem>>) target(%dma_start3A_108 : memref<64256xi32, #tpu.memory_space<vmem_shared>>) offsets(%dma_start3A_106 : memref<128xi32, #tpu.memory_space<vmem>>) semaphore(%arg19 : memref<!tpu.dma_semaphore, #tpu.memory_space<semaphore_mem>>)
        %dma_start3A_109 = arith.constant 4 : i32
        %dma_start3A_110 = arith.constant 4 : i32
        %dma_start3A_111 = arith.constant 0 : i32
        %dma_start3A_112 = tpu.memref_slice %arg7[%dma_start3A_109, %dma_start3A_111] : memref<8x128xi32, #tpu.memory_space<vmem>> -> memref<1x128xi32, #tpu.memory_space<vmem>>
        %dma_start3A_113 = tpu.memref_squeeze %dma_start3A_112 : memref<1x128xi32, #tpu.memory_space<vmem>> -> memref<128xi32, #tpu.memory_space<vmem>>
        %dma_start3A_114 = arith.constant 0 : i32
        %dma_start3A_115 = tpu.memref_slice %arg8[%dma_start3A_110, %dma_start3A_114] : memref<8x128xi32, #tpu.memory_space<vmem>> -> memref<1x128xi32, #tpu.memory_space<vmem>>
        %dma_start3A_116 = tpu.memref_squeeze %dma_start3A_115 : memref<1x128xi32, #tpu.memory_space<vmem>> -> memref<128xi32, #tpu.memory_space<vmem>>
        %dma_start3A_117 = arith.constant 0 : i32
        %dma_start3A_118 = tpu.memref_slice %arg14[%dma_start3A_117] : memref<64256xi32, #tpu.memory_space<vmem_shared>> -> memref<64256xi32, #tpu.memory_space<vmem_shared>>
        tpu.enqueue_indirect_dma source(%dma_start3A_113 : memref<128xi32, #tpu.memory_space<vmem>>) target(%dma_start3A_118 : memref<64256xi32, #tpu.memory_space<vmem_shared>>) offsets(%dma_start3A_116 : memref<128xi32, #tpu.memory_space<vmem>>) semaphore(%arg19 : memref<!tpu.dma_semaphore, #tpu.memory_space<semaphore_mem>>)
        %dma_start3A_119 = arith.constant 5 : i32
        %dma_start3A_120 = arith.constant 5 : i32
        %dma_start3A_121 = arith.constant 0 : i32
        %dma_start3A_122 = tpu.memref_slice %arg7[%dma_start3A_119, %dma_start3A_121] : memref<8x128xi32, #tpu.memory_space<vmem>> -> memref<1x128xi32, #tpu.memory_space<vmem>>
        %dma_start3A_123 = tpu.memref_squeeze %dma_start3A_122 : memref<1x128xi32, #tpu.memory_space<vmem>> -> memref<128xi32, #tpu.memory_space<vmem>>
        %dma_start3A_124 = arith.constant 0 : i32
        %dma_start3A_125 = tpu.memref_slice %arg8[%dma_start3A_120, %dma_start3A_124] : memref<8x128xi32, #tpu.memory_space<vmem>> -> memref<1x128xi32, #tpu.memory_space<vmem>>
        %dma_start3A_126 = tpu.memref_squeeze %dma_start3A_125 : memref<1x128xi32, #tpu.memory_space<vmem>> -> memref<128xi32, #tpu.memory_space<vmem>>
        %dma_start3A_127 = arith.constant 0 : i32
        %dma_start3A_128 = tpu.memref_slice %arg14[%dma_start3A_127] : memref<64256xi32, #tpu.memory_space<vmem_shared>> -> memref<64256xi32, #tpu.memory_space<vmem_shared>>
        tpu.enqueue_indirect_dma source(%dma_start3A_123 : memref<128xi32, #tpu.memory_space<vmem>>) target(%dma_start3A_128 : memref<64256xi32, #tpu.memory_space<vmem_shared>>) offsets(%dma_start3A_126 : memref<128xi32, #tpu.memory_space<vmem>>) semaphore(%arg19 : memref<!tpu.dma_semaphore, #tpu.memory_space<semaphore_mem>>)
        %dma_start3A_129 = arith.constant 6 : i32
        %dma_start3A_130 = arith.constant 6 : i32
        %dma_start3A_131 = arith.constant 0 : i32
        %dma_start3A_132 = tpu.memref_slice %arg7[%dma_start3A_129, %dma_start3A_131] : memref<8x128xi32, #tpu.memory_space<vmem>> -> memref<1x128xi32, #tpu.memory_space<vmem>>
        %dma_start3A_133 = tpu.memref_squeeze %dma_start3A_132 : memref<1x128xi32, #tpu.memory_space<vmem>> -> memref<128xi32, #tpu.memory_space<vmem>>
        %dma_start3A_134 = arith.constant 0 : i32
        %dma_start3A_135 = tpu.memref_slice %arg8[%dma_start3A_130, %dma_start3A_134] : memref<8x128xi32, #tpu.memory_space<vmem>> -> memref<1x128xi32, #tpu.memory_space<vmem>>
        %dma_start3A_136 = tpu.memref_squeeze %dma_start3A_135 : memref<1x128xi32, #tpu.memory_space<vmem>> -> memref<128xi32, #tpu.memory_space<vmem>>
        %dma_start3A_137 = arith.constant 0 : i32
        %dma_start3A_138 = tpu.memref_slice %arg14[%dma_start3A_137] : memref<64256xi32, #tpu.memory_space<vmem_shared>> -> memref<64256xi32, #tpu.memory_space<vmem_shared>>
        tpu.enqueue_indirect_dma source(%dma_start3A_133 : memref<128xi32, #tpu.memory_space<vmem>>) target(%dma_start3A_138 : memref<64256xi32, #tpu.memory_space<vmem_shared>>) offsets(%dma_start3A_136 : memref<128xi32, #tpu.memory_space<vmem>>) semaphore(%arg19 : memref<!tpu.dma_semaphore, #tpu.memory_space<semaphore_mem>>)
        %dma_start3A_139 = arith.constant 7 : i32
        %dma_start3A_140 = arith.constant 7 : i32
        %dma_start3A_141 = arith.constant 0 : i32
        %dma_start3A_142 = tpu.memref_slice %arg7[%dma_start3A_139, %dma_start3A_141] : memref<8x128xi32, #tpu.memory_space<vmem>> -> memref<1x128xi32, #tpu.memory_space<vmem>>
        %dma_start3A_143 = tpu.memref_squeeze %dma_start3A_142 : memref<1x128xi32, #tpu.memory_space<vmem>> -> memref<128xi32, #tpu.memory_space<vmem>>
        %dma_start3A_144 = arith.constant 0 : i32
        %dma_start3A_145 = tpu.memref_slice %arg8[%dma_start3A_140, %dma_start3A_144] : memref<8x128xi32, #tpu.memory_space<vmem>> -> memref<1x128xi32, #tpu.memory_space<vmem>>
        %dma_start3A_146 = tpu.memref_squeeze %dma_start3A_145 : memref<1x128xi32, #tpu.memory_space<vmem>> -> memref<128xi32, #tpu.memory_space<vmem>>
        %dma_start3A_147 = arith.constant 0 : i32
        %dma_start3A_148 = tpu.memref_slice %arg14[%dma_start3A_147] : memref<64256xi32, #tpu.memory_space<vmem_shared>> -> memref<64256xi32, #tpu.memory_space<vmem_shared>>
        tpu.enqueue_indirect_dma source(%dma_start3A_143 : memref<128xi32, #tpu.memory_space<vmem>>) target(%dma_start3A_148 : memref<64256xi32, #tpu.memory_space<vmem_shared>>) offsets(%dma_start3A_146 : memref<128xi32, #tpu.memory_space<vmem>>) semaphore(%arg19 : memref<!tpu.dma_semaphore, #tpu.memory_space<semaphore_mem>>)
        %dma_wait3A_149 = arith.constant 0 : i32
        %dma_wait3A_150 = arith.constant 0 : i32
        %dma_wait3A_151 = arith.constant 0 : i32
        %dma_wait3A_152 = tpu.memref_slice %arg7[%dma_wait3A_149, %dma_wait3A_151] : memref<8x128xi32, #tpu.memory_space<vmem>> -> memref<1x128xi32, #tpu.memory_space<vmem>>
        %dma_wait3A_153 = tpu.memref_squeeze %dma_wait3A_152 : memref<1x128xi32, #tpu.memory_space<vmem>> -> memref<128xi32, #tpu.memory_space<vmem>>
        %dma_wait3A_154 = arith.constant 0 : i32
        %dma_wait3A_155 = tpu.memref_slice %arg8[%dma_wait3A_150, %dma_wait3A_154] : memref<8x128xi32, #tpu.memory_space<vmem>> -> memref<1x128xi32, #tpu.memory_space<vmem>>
        %dma_wait3A_156 = tpu.memref_squeeze %dma_wait3A_155 : memref<1x128xi32, #tpu.memory_space<vmem>> -> memref<128xi32, #tpu.memory_space<vmem>>
        %dma_wait3A_157 = arith.constant 0 : i32
        %dma_wait3A_158 = tpu.memref_slice %arg14[%dma_wait3A_157] : memref<64256xi32, #tpu.memory_space<vmem_shared>> -> memref<64256xi32, #tpu.memory_space<vmem_shared>>
        tpu.wait_indirect_dma semaphore(%arg19 : memref<!tpu.dma_semaphore, #tpu.memory_space<semaphore_mem>>) src(%dma_wait3A_153 : memref<128xi32, #tpu.memory_space<vmem>>) dst(%dma_wait3A_158 : memref<64256xi32, #tpu.memory_space<vmem_shared>>)
        %dma_wait3A_159 = arith.constant 1 : i32
        %dma_wait3A_160 = arith.constant 1 : i32
        %dma_wait3A_161 = arith.constant 0 : i32
        %dma_wait3A_162 = tpu.memref_slice %arg7[%dma_wait3A_159, %dma_wait3A_161] : memref<8x128xi32, #tpu.memory_space<vmem>> -> memref<1x128xi32, #tpu.memory_space<vmem>>
        %dma_wait3A_163 = tpu.memref_squeeze %dma_wait3A_162 : memref<1x128xi32, #tpu.memory_space<vmem>> -> memref<128xi32, #tpu.memory_space<vmem>>
        %dma_wait3A_164 = arith.constant 0 : i32
        %dma_wait3A_165 = tpu.memref_slice %arg8[%dma_wait3A_160, %dma_wait3A_164] : memref<8x128xi32, #tpu.memory_space<vmem>> -> memref<1x128xi32, #tpu.memory_space<vmem>>
        %dma_wait3A_166 = tpu.memref_squeeze %dma_wait3A_165 : memref<1x128xi32, #tpu.memory_space<vmem>> -> memref<128xi32, #tpu.memory_space<vmem>>
        %dma_wait3A_167 = arith.constant 0 : i32
        %dma_wait3A_168 = tpu.memref_slice %arg14[%dma_wait3A_167] : memref<64256xi32, #tpu.memory_space<vmem_shared>> -> memref<64256xi32, #tpu.memory_space<vmem_shared>>
        tpu.wait_indirect_dma semaphore(%arg19 : memref<!tpu.dma_semaphore, #tpu.memory_space<semaphore_mem>>) src(%dma_wait3A_163 : memref<128xi32, #tpu.memory_space<vmem>>) dst(%dma_wait3A_168 : memref<64256xi32, #tpu.memory_space<vmem_shared>>)
        %dma_wait3A_169 = arith.constant 2 : i32
        %dma_wait3A_170 = arith.constant 2 : i32
        %dma_wait3A_171 = arith.constant 0 : i32
        %dma_wait3A_172 = tpu.memref_slice %arg7[%dma_wait3A_169, %dma_wait3A_171] : memref<8x128xi32, #tpu.memory_space<vmem>> -> memref<1x128xi32, #tpu.memory_space<vmem>>
        %dma_wait3A_173 = tpu.memref_squeeze %dma_wait3A_172 : memref<1x128xi32, #tpu.memory_space<vmem>> -> memref<128xi32, #tpu.memory_space<vmem>>
        %dma_wait3A_174 = arith.constant 0 : i32
        %dma_wait3A_175 = tpu.memref_slice %arg8[%dma_wait3A_170, %dma_wait3A_174] : memref<8x128xi32, #tpu.memory_space<vmem>> -> memref<1x128xi32, #tpu.memory_space<vmem>>
        %dma_wait3A_176 = tpu.memref_squeeze %dma_wait3A_175 : memref<1x128xi32, #tpu.memory_space<vmem>> -> memref<128xi32, #tpu.memory_space<vmem>>
        %dma_wait3A_177 = arith.constant 0 : i32
        %dma_wait3A_178 = tpu.memref_slice %arg14[%dma_wait3A_177] : memref<64256xi32, #tpu.memory_space<vmem_shared>> -> memref<64256xi32, #tpu.memory_space<vmem_shared>>
        tpu.wait_indirect_dma semaphore(%arg19 : memref<!tpu.dma_semaphore, #tpu.memory_space<semaphore_mem>>) src(%dma_wait3A_173 : memref<128xi32, #tpu.memory_space<vmem>>) dst(%dma_wait3A_178 : memref<64256xi32, #tpu.memory_space<vmem_shared>>)
        %dma_wait3A_179 = arith.constant 3 : i32
        %dma_wait3A_180 = arith.constant 3 : i32
        %dma_wait3A_181 = arith.constant 0 : i32
        %dma_wait3A_182 = tpu.memref_slice %arg7[%dma_wait3A_179, %dma_wait3A_181] : memref<8x128xi32, #tpu.memory_space<vmem>> -> memref<1x128xi32, #tpu.memory_space<vmem>>
        %dma_wait3A_183 = tpu.memref_squeeze %dma_wait3A_182 : memref<1x128xi32, #tpu.memory_space<vmem>> -> memref<128xi32, #tpu.memory_space<vmem>>
        %dma_wait3A_184 = arith.constant 0 : i32
        %dma_wait3A_185 = tpu.memref_slice %arg8[%dma_wait3A_180, %dma_wait3A_184] : memref<8x128xi32, #tpu.memory_space<vmem>> -> memref<1x128xi32, #tpu.memory_space<vmem>>
        %dma_wait3A_186 = tpu.memref_squeeze %dma_wait3A_185 : memref<1x128xi32, #tpu.memory_space<vmem>> -> memref<128xi32, #tpu.memory_space<vmem>>
        %dma_wait3A_187 = arith.constant 0 : i32
        %dma_wait3A_188 = tpu.memref_slice %arg14[%dma_wait3A_187] : memref<64256xi32, #tpu.memory_space<vmem_shared>> -> memref<64256xi32, #tpu.memory_space<vmem_shared>>
        tpu.wait_indirect_dma semaphore(%arg19 : memref<!tpu.dma_semaphore, #tpu.memory_space<semaphore_mem>>) src(%dma_wait3A_183 : memref<128xi32, #tpu.memory_space<vmem>>) dst(%dma_wait3A_188 : memref<64256xi32, #tpu.memory_space<vmem_shared>>)
        %dma_wait3A_189 = arith.constant 4 : i32
        %dma_wait3A_190 = arith.constant 4 : i32
        %dma_wait3A_191 = arith.constant 0 : i32
        %dma_wait3A_192 = tpu.memref_slice %arg7[%dma_wait3A_189, %dma_wait3A_191] : memref<8x128xi32, #tpu.memory_space<vmem>> -> memref<1x128xi32, #tpu.memory_space<vmem>>
        %dma_wait3A_193 = tpu.memref_squeeze %dma_wait3A_192 : memref<1x128xi32, #tpu.memory_space<vmem>> -> memref<128xi32, #tpu.memory_space<vmem>>
        %dma_wait3A_194 = arith.constant 0 : i32
        %dma_wait3A_195 = tpu.memref_slice %arg8[%dma_wait3A_190, %dma_wait3A_194] : memref<8x128xi32, #tpu.memory_space<vmem>> -> memref<1x128xi32, #tpu.memory_space<vmem>>
        %dma_wait3A_196 = tpu.memref_squeeze %dma_wait3A_195 : memref<1x128xi32, #tpu.memory_space<vmem>> -> memref<128xi32, #tpu.memory_space<vmem>>
        %dma_wait3A_197 = arith.constant 0 : i32
        %dma_wait3A_198 = tpu.memref_slice %arg14[%dma_wait3A_197] : memref<64256xi32, #tpu.memory_space<vmem_shared>> -> memref<64256xi32, #tpu.memory_space<vmem_shared>>
        tpu.wait_indirect_dma semaphore(%arg19 : memref<!tpu.dma_semaphore, #tpu.memory_space<semaphore_mem>>) src(%dma_wait3A_193 : memref<128xi32, #tpu.memory_space<vmem>>) dst(%dma_wait3A_198 : memref<64256xi32, #tpu.memory_space<vmem_shared>>)
        %dma_wait3A_199 = arith.constant 5 : i32
        %dma_wait3A_200 = arith.constant 5 : i32
        %dma_wait3A_201 = arith.constant 0 : i32
        %dma_wait3A_202 = tpu.memref_slice %arg7[%dma_wait3A_199, %dma_wait3A_201] : memref<8x128xi32, #tpu.memory_space<vmem>> -> memref<1x128xi32, #tpu.memory_space<vmem>>
        %dma_wait3A_203 = tpu.memref_squeeze %dma_wait3A_202 : memref<1x128xi32, #tpu.memory_space<vmem>> -> memref<128xi32, #tpu.memory_space<vmem>>
        %dma_wait3A_204 = arith.constant 0 : i32
        %dma_wait3A_205 = tpu.memref_slice %arg8[%dma_wait3A_200, %dma_wait3A_204] : memref<8x128xi32, #tpu.memory_space<vmem>> -> memref<1x128xi32, #tpu.memory_space<vmem>>
        %dma_wait3A_206 = tpu.memref_squeeze %dma_wait3A_205 : memref<1x128xi32, #tpu.memory_space<vmem>> -> memref<128xi32, #tpu.memory_space<vmem>>
        %dma_wait3A_207 = arith.constant 0 : i32
        %dma_wait3A_208 = tpu.memref_slice %arg14[%dma_wait3A_207] : memref<64256xi32, #tpu.memory_space<vmem_shared>> -> memref<64256xi32, #tpu.memory_space<vmem_shared>>
        tpu.wait_indirect_dma semaphore(%arg19 : memref<!tpu.dma_semaphore, #tpu.memory_space<semaphore_mem>>) src(%dma_wait3A_203 : memref<128xi32, #tpu.memory_space<vmem>>) dst(%dma_wait3A_208 : memref<64256xi32, #tpu.memory_space<vmem_shared>>)
        %dma_wait3A_209 = arith.constant 6 : i32
        %dma_wait3A_210 = arith.constant 6 : i32
        %dma_wait3A_211 = arith.constant 0 : i32
        %dma_wait3A_212 = tpu.memref_slice %arg7[%dma_wait3A_209, %dma_wait3A_211] : memref<8x128xi32, #tpu.memory_space<vmem>> -> memref<1x128xi32, #tpu.memory_space<vmem>>
        %dma_wait3A_213 = tpu.memref_squeeze %dma_wait3A_212 : memref<1x128xi32, #tpu.memory_space<vmem>> -> memref<128xi32, #tpu.memory_space<vmem>>
        %dma_wait3A_214 = arith.constant 0 : i32
        %dma_wait3A_215 = tpu.memref_slice %arg8[%dma_wait3A_210, %dma_wait3A_214] : memref<8x128xi32, #tpu.memory_space<vmem>> -> memref<1x128xi32, #tpu.memory_space<vmem>>
        %dma_wait3A_216 = tpu.memref_squeeze %dma_wait3A_215 : memref<1x128xi32, #tpu.memory_space<vmem>> -> memref<128xi32, #tpu.memory_space<vmem>>
        %dma_wait3A_217 = arith.constant 0 : i32
        %dma_wait3A_218 = tpu.memref_slice %arg14[%dma_wait3A_217] : memref<64256xi32, #tpu.memory_space<vmem_shared>> -> memref<64256xi32, #tpu.memory_space<vmem_shared>>
        tpu.wait_indirect_dma semaphore(%arg19 : memref<!tpu.dma_semaphore, #tpu.memory_space<semaphore_mem>>) src(%dma_wait3A_213 : memref<128xi32, #tpu.memory_space<vmem>>) dst(%dma_wait3A_218 : memref<64256xi32, #tpu.memory_space<vmem_shared>>)
        %dma_wait3A_219 = arith.constant 7 : i32
        %dma_wait3A_220 = arith.constant 7 : i32
        %dma_wait3A_221 = arith.constant 0 : i32
        %dma_wait3A_222 = tpu.memref_slice %arg7[%dma_wait3A_219, %dma_wait3A_221] : memref<8x128xi32, #tpu.memory_space<vmem>> -> memref<1x128xi32, #tpu.memory_space<vmem>>
        %dma_wait3A_223 = tpu.memref_squeeze %dma_wait3A_222 : memref<1x128xi32, #tpu.memory_space<vmem>> -> memref<128xi32, #tpu.memory_space<vmem>>
        %dma_wait3A_224 = arith.constant 0 : i32
        %dma_wait3A_225 = tpu.memref_slice %arg8[%dma_wait3A_220, %dma_wait3A_224] : memref<8x128xi32, #tpu.memory_space<vmem>> -> memref<1x128xi32, #tpu.memory_space<vmem>>
        %dma_wait3A_226 = tpu.memref_squeeze %dma_wait3A_225 : memref<1x128xi32, #tpu.memory_space<vmem>> -> memref<128xi32, #tpu.memory_space<vmem>>
        %dma_wait3A_227 = arith.constant 0 : i32
        %dma_wait3A_228 = tpu.memref_slice %arg14[%dma_wait3A_227] : memref<64256xi32, #tpu.memory_space<vmem_shared>> -> memref<64256xi32, #tpu.memory_space<vmem_shared>>
        tpu.wait_indirect_dma semaphore(%arg19 : memref<!tpu.dma_semaphore, #tpu.memory_space<semaphore_mem>>) src(%dma_wait3A_223 : memref<128xi32, #tpu.memory_space<vmem>>) dst(%dma_wait3A_228 : memref<64256xi32, #tpu.memory_space<vmem_shared>>)
      } else {
      }
      %barrier3A_67 = arith.constant 0 : index
      tpu.barrier barrier_id(%barrier3A_67)
      %scan3A_68 = arith.constant 0 : i32
      scf.yield %scan3A_68 : i32
    }
    %scan3A_36 = arith.constant 16 : i32
    %mul3A_37 = arith.constant 2000 : i32
    %mul3A_38 = arith.muli %add3A, %mul3A_37 : i32
    "tpu.region"() ({
      %run_scoped3A = tpu.sem_alloc : memref<!tpu.dma_semaphore, #tpu.memory_space<semaphore_mem>>
      %dma_start3A_64 = tpu.memref_slice %arg14[%mul3A_38] : memref<64256xi32, #tpu.memory_space<vmem_shared>> -> memref<2000xi32, #tpu.memory_space<vmem_shared>>
      %dma_start3A_65 = tpu.memref_slice %arg14[%mul3A_38] : memref<64256xi32, #tpu.memory_space<vmem_shared>> -> memref<2000xi32, #tpu.memory_space<vmem_shared>>
      tpu.enqueue_dma source(%dma_start3A_65 : memref<2000xi32, #tpu.memory_space<vmem_shared>>) target(%arg11 : memref<2000xi32, #tpu.memory_space<vmem>>) target_semaphore(%run_scoped3A : memref<!tpu.dma_semaphore, #tpu.memory_space<semaphore_mem>>)
      %dma_wait3A_66 = tpu.memref_slice %arg14[%mul3A_38] : memref<64256xi32, #tpu.memory_space<vmem_shared>> -> memref<2000xi32, #tpu.memory_space<vmem_shared>>
      %dma_wait3A_67 = tpu.memref_slice %arg14[%mul3A_38] : memref<64256xi32, #tpu.memory_space<vmem_shared>> -> memref<2000xi32, #tpu.memory_space<vmem_shared>>
      tpu.wait_dma2 semaphore(%run_scoped3A : memref<!tpu.dma_semaphore, #tpu.memory_space<semaphore_mem>>) src(%dma_wait3A_67 : memref<2000xi32, #tpu.memory_space<vmem_shared>>) dst(%arg11 : memref<2000xi32, #tpu.memory_space<vmem>>)
      tpu.yield
    }) : () -> ()
    %add3A_39 = arith.constant 0 : i32
    %add3A_40 = arith.addi %mul3A_38, %add3A_39 : i32
    %dma_start3A = arith.constant 0 : i32
    %dma_start3A_41 = tpu.memref_slice %arg4[%add3A_40, %dma_start3A] : memref<64000x512xf32, #tpu.memory_space<hbm>> -> memref<40x512xf32, #tpu.memory_space<hbm>>
    %dma_start3A_42 = arith.constant 0 : i32
    %dma_start3A_43 = tpu.memref_slice %arg4[%add3A_40, %dma_start3A_42] : memref<64000x512xf32, #tpu.memory_space<hbm>> -> memref<40x512xf32, #tpu.memory_space<hbm>>
    tpu.enqueue_dma source(%dma_start3A_43 : memref<40x512xf32, #tpu.memory_space<hbm>>) target(%arg12 : memref<40x512xf32, #tpu.memory_space<vmem>>) target_semaphore(%arg15 : memref<!tpu.dma_semaphore, #tpu.memory_space<semaphore_mem>>)
    %add3A_44 = arith.constant 40 : i32
    %add3A_45 = arith.addi %mul3A_38, %add3A_44 : i32
    %dma_start3A_46 = arith.constant 0 : i32
    %dma_start3A_47 = tpu.memref_slice %arg4[%add3A_45, %dma_start3A_46] : memref<64000x512xf32, #tpu.memory_space<hbm>> -> memref<40x512xf32, #tpu.memory_space<hbm>>
    %dma_start3A_48 = arith.constant 0 : i32
    %dma_start3A_49 = tpu.memref_slice %arg4[%add3A_45, %dma_start3A_48] : memref<64000x512xf32, #tpu.memory_space<hbm>> -> memref<40x512xf32, #tpu.memory_space<hbm>>
    tpu.enqueue_dma source(%dma_start3A_49 : memref<40x512xf32, #tpu.memory_space<hbm>>) target(%arg13 : memref<40x512xf32, #tpu.memory_space<vmem>>) target_semaphore(%arg16 : memref<!tpu.dma_semaphore, #tpu.memory_space<semaphore_mem>>)
    %scan3A_50 = arith.constant 0 : i32
    %scan3A_51 = arith.constant 0 : i32
    %scan3A_52 = arith.constant 25 : i32
    %scan3A_53 = arith.addi %scan3A_51, %scan3A_52 : i32
    %scan3A_54 = arith.constant 1 : i32
    %scan3A_55 = scf.for %scan3A_64 = %scan3A_51 to %scan3A_53 step %scan3A_54 iter_args(%scan3A_65 = %scan3A_50) -> (i32)  : i32 {
      %mul3A_66 = arith.constant 2 : i32
      %mul3A_67 = arith.muli %scan3A_64, %mul3A_66 : i32
      %dma_wait3A_68 = arith.constant 0 : i32
      %dma_wait3A_69 = arith.constant 0 : i32
      %dma_wait3A_70 = tpu.memref_slice %arg4[%dma_wait3A_68, %dma_wait3A_69] : memref<64000x512xf32, #tpu.memory_space<hbm>> -> memref<40x512xf32, #tpu.memory_space<hbm>>
      %dma_wait3A_71 = arith.constant 0 : i32
      %dma_wait3A_72 = arith.constant 0 : i32
      %dma_wait3A_73 = tpu.memref_slice %arg4[%dma_wait3A_71, %dma_wait3A_72] : memref<64000x512xf32, #tpu.memory_space<hbm>> -> memref<40x512xf32, #tpu.memory_space<hbm>>
      tpu.wait_dma2 semaphore(%arg15 : memref<!tpu.dma_semaphore, #tpu.memory_space<semaphore_mem>>) src(%dma_wait3A_73 : memref<40x512xf32, #tpu.memory_space<hbm>>) dst(%arg12 : memref<40x512xf32, #tpu.memory_space<vmem>>)
      %mul3A_74 = arith.constant 40 : i32
      %mul3A_75 = arith.muli %mul3A_67, %mul3A_74 : i32
      %add3A_76 = arith.constant 0 : i32
      %add3A_77 = arith.addi %mul3A_75, %add3A_76 : i32
      %get3A = arith.index_cast %add3A_77 : i32 to index
      %get3A_78 = tpu.vector_load %arg11[%get3A] {strides = array<i32>} : memref<2000xi32, #tpu.memory_space<vmem>>, vector<16xi32>,
      %ge3A = arith.constant 0 : i32
      %ge3A_79 = vector.broadcast %ge3A : i32 to vector<16xi32>
      %ge3A_80 = arith.cmpi sge, %get3A_78, %ge3A_79 : vector<16xi32>
      %ge3A_81 = arith.constant 0 : i32
      %ge3A_82 = vector.broadcast %ge3A_81 : i32 to vector<16xi32>
      %ge3A_83 = arith.cmpi sge, %iota3A, %ge3A_82 : vector<16xi32>
      %and3A = arith.andi %ge3A_80, %ge3A_83 : vector<16xi1>
      %while3A = arith.constant 0 : i32
      %while3A_84:2 = scf.while (%while3A_224 = %and3A, %while3A_225 = %while3A) : (vector<16xi1>, i32) -> (vector<16xi1>, i32) {
        %reduce_or3A = arith.constant 1.000000e+00 : f32
        %reduce_or3A_226 = arith.constant 0.000000e+00 : f32
        %reduce_or3A_227 = vector.broadcast %reduce_or3A : f32 to vector<16xf32>
        %reduce_or3A_228 = vector.broadcast %reduce_or3A_226 : f32 to vector<16xf32>
        %reduce_or3A_229 = arith.select %while3A_224, %reduce_or3A_227, %reduce_or3A_228 : vector<16xi1>, vector<16xf32>
        %reduce_or3A_230 = arith.constant true
        %reduce_or3A_231 = vector.broadcast %reduce_or3A_230 : i1 to vector<16xi1>
        %reduce_or3A_232 = tpu.scan <max>, %reduce_or3A_229 masked %reduce_or3A_231 : vector<16xf32>, vector<16xi1> -> vector<16xf32>
        %reduce_or3A_233 = vector.extract %reduce_or3A_232[15] : f32 from vector<16xf32>
        %reduce_or3A_234 = arith.constant 0.000000e+00 : f32
        %reduce_or3A_235 = arith.cmpf ogt, %reduce_or3A_233, %reduce_or3A_234 : f32
        scf.condition(%reduce_or3A_235) %while3A_224, %while3A_225 : vector<16xi1>, i32
      } do {
      ^bb0(%while3A_224: vector<16xi1>, %while3A_225: i32):
        %all_reduce_ffs3A = tpu.all_reduce %while3A_224 {dim = 0 : i64, kind = #tpu.reduction_kind<find_first_set>} : vector<16xi1> -> vector<16xi32>
        %reduce_max3A = arith.constant true
        %reduce_max3A_226 = vector.broadcast %reduce_max3A : i1 to vector<16xi1>
        %reduce_max3A_227 = arith.constant -2147483648 : i32
        %reduce_max3A_228 = vector.broadcast %reduce_max3A_227 : i32 to vector<16xi32>
        %reduce_max3A_229 = arith.xori %all_reduce_ffs3A, %reduce_max3A_228 : vector<16xi32>
        %reduce_max3A_230 = tpu.scan <max>, %reduce_max3A_229 masked %reduce_max3A_226 : vector<16xi32>, vector<16xi1> -> vector<16xi32>
        %reduce_max3A_231 = arith.xori %reduce_max3A_230, %reduce_max3A_228 : vector<16xi32>
        %reduce_max3A_232 = vector.extract %reduce_max3A_231[15] : i32 from vector<16xi32>
        %eq3A = vector.broadcast %reduce_max3A_232 : i32 to vector<16xi32>
        %eq3A_233 = arith.cmpi eq, %iota3A, %eq3A : vector<16xi32>
        %jit3A = arith.constant -1 : i32
        %broadcast_in_dim3A = vector.broadcast %jit3A : i32 to vector<16xi32>
        %select_n3A = arith.select %eq3A_233, %get3A_78, %broadcast_in_dim3A : vector<16xi1>, vector<16xi32>
        %reduce_max3A_234 = arith.constant true
        %reduce_max3A_235 = vector.broadcast %reduce_max3A_234 : i1 to vector<16xi1>
        %reduce_max3A_236 = arith.constant -2147483648 : i32
        %reduce_max3A_237 = vector.broadcast %reduce_max3A_236 : i32 to vector<16xi32>
        %reduce_max3A_238 = arith.xori %select_n3A, %reduce_max3A_237 : vector<16xi32>
        %reduce_max3A_239 = tpu.scan <max>, %reduce_max3A_238 masked %reduce_max3A_235 : vector<16xi32>, vector<16xi1> -> vector<16xi32>
        %reduce_max3A_240 = arith.xori %reduce_max3A_239, %reduce_max3A_237 : vector<16xi32>
        %reduce_max3A_241 = vector.extract %reduce_max3A_240[15] : i32 from vector<16xi32>
        %add3A_242 = arith.constant 0 : i32
        %add3A_243 = arith.addi %add3A_242, %reduce_max3A_232 : i32
        %dma_start3A_244 = arith.constant 0 : i32
        %dma_start3A_245 = tpu.memref_slice %arg12[%add3A_243, %dma_start3A_244] : memref<40x512xf32, #tpu.memory_space<vmem>> -> memref<1x512xf32, #tpu.memory_space<vmem>>
        %dma_start3A_246 = arith.constant 0 : i32
        %dma_start3A_247 = tpu.memref_slice %arg3[%reduce_max3A_241, %dma_start3A_246] : memref<16384x512xf32, #tpu.memory_space<hbm>> -> memref<1x512xf32, #tpu.memory_space<hbm>>
        %dma_start3A_248 = arith.constant 0 : i32
        %dma_start3A_249 = tpu.memref_slice %arg12[%add3A_243, %dma_start3A_248] : memref<40x512xf32, #tpu.memory_space<vmem>> -> memref<1x512xf32, #tpu.memory_space<vmem>>
        %dma_start3A_250 = arith.constant 0 : i32
        %dma_start3A_251 = tpu.memref_slice %arg3[%reduce_max3A_241, %dma_start3A_250] : memref<16384x512xf32, #tpu.memory_space<hbm>> -> memref<1x512xf32, #tpu.memory_space<hbm>>
        tpu.enqueue_dma source(%dma_start3A_251 : memref<1x512xf32, #tpu.memory_space<hbm>>) target(%dma_start3A_249 : memref<1x512xf32, #tpu.memory_space<vmem>>) target_semaphore(%arg19 : memref<!tpu.dma_semaphore, #tpu.memory_space<semaphore_mem>>)
        %ne3A = vector.broadcast %reduce_max3A_232 : i32 to vector<16xi32>
        %ne3A_252 = arith.cmpi ne, %iota3A, %ne3A : vector<16xi32>
        %and3A_253 = arith.andi %while3A_224, %ne3A_252 : vector<16xi1>
        %add3A_254 = arith.constant 1 : i32
        %add3A_255 = arith.addi %while3A_225, %add3A_254 : i32
        scf.yield %and3A_253, %add3A_255 : vector<16xi1>, i32
      }
      %mul3A_85 = arith.constant 40 : i32
      %mul3A_86 = arith.muli %mul3A_67, %mul3A_85 : i32
      %add3A_87 = arith.constant 16 : i32
      %add3A_88 = arith.addi %mul3A_86, %add3A_87 : i32
      %get3A_89 = arith.index_cast %add3A_88 : i32 to index
      %get3A_90 = tpu.vector_load %arg11[%get3A_89] {strides = array<i32>} : memref<2000xi32, #tpu.memory_space<vmem>>, vector<16xi32>,
      %ge3A_91 = arith.constant 0 : i32
      %ge3A_92 = vector.broadcast %ge3A_91 : i32 to vector<16xi32>
      %ge3A_93 = arith.cmpi sge, %get3A_90, %ge3A_92 : vector<16xi32>
      %ge3A_94 = arith.constant 0 : i32
      %ge3A_95 = vector.broadcast %ge3A_94 : i32 to vector<16xi32>
      %ge3A_96 = arith.cmpi sge, %iota3A, %ge3A_95 : vector<16xi32>
      %and3A_97 = arith.andi %ge3A_93, %ge3A_96 : vector<16xi1>
      %while3A_98 = arith.constant 0 : i32
      %while3A_99:2 = scf.while (%while3A_224 = %and3A_97, %while3A_225 = %while3A_98) : (vector<16xi1>, i32) -> (vector<16xi1>, i32) {
        %reduce_or3A = arith.constant 1.000000e+00 : f32
        %reduce_or3A_226 = arith.constant 0.000000e+00 : f32
        %reduce_or3A_227 = vector.broadcast %reduce_or3A : f32 to vector<16xf32>
        %reduce_or3A_228 = vector.broadcast %reduce_or3A_226 : f32 to vector<16xf32>
        %reduce_or3A_229 = arith.select %while3A_224, %reduce_or3A_227, %reduce_or3A_228 : vector<16xi1>, vector<16xf32>
        %reduce_or3A_230 = arith.constant true
        %reduce_or3A_231 = vector.broadcast %reduce_or3A_230 : i1 to vector<16xi1>
        %reduce_or3A_232 = tpu.scan <max>, %reduce_or3A_229 masked %reduce_or3A_231 : vector<16xf32>, vector<16xi1> -> vector<16xf32>
        %reduce_or3A_233 = vector.extract %reduce_or3A_232[15] : f32 from vector<16xf32>
        %reduce_or3A_234 = arith.constant 0.000000e+00 : f32
        %reduce_or3A_235 = arith.cmpf ogt, %reduce_or3A_233, %reduce_or3A_234 : f32
        scf.condition(%reduce_or3A_235) %while3A_224, %while3A_225 : vector<16xi1>, i32
      } do {
      ^bb0(%while3A_224: vector<16xi1>, %while3A_225: i32):
        %all_reduce_ffs3A = tpu.all_reduce %while3A_224 {dim = 0 : i64, kind = #tpu.reduction_kind<find_first_set>} : vector<16xi1> -> vector<16xi32>
        %reduce_max3A = arith.constant true
        %reduce_max3A_226 = vector.broadcast %reduce_max3A : i1 to vector<16xi1>
        %reduce_max3A_227 = arith.constant -2147483648 : i32
        %reduce_max3A_228 = vector.broadcast %reduce_max3A_227 : i32 to vector<16xi32>
        %reduce_max3A_229 = arith.xori %all_reduce_ffs3A, %reduce_max3A_228 : vector<16xi32>
        %reduce_max3A_230 = tpu.scan <max>, %reduce_max3A_229 masked %reduce_max3A_226 : vector<16xi32>, vector<16xi1> -> vector<16xi32>
        %reduce_max3A_231 = arith.xori %reduce_max3A_230, %reduce_max3A_228 : vector<16xi32>
        %reduce_max3A_232 = vector.extract %reduce_max3A_231[15] : i32 from vector<16xi32>
        %eq3A = vector.broadcast %reduce_max3A_232 : i32 to vector<16xi32>
        %eq3A_233 = arith.cmpi eq, %iota3A, %eq3A : vector<16xi32>
        %jit3A = arith.constant -1 : i32
        %broadcast_in_dim3A = vector.broadcast %jit3A : i32 to vector<16xi32>
        %select_n3A = arith.select %eq3A_233, %get3A_90, %broadcast_in_dim3A : vector<16xi1>, vector<16xi32>
        %reduce_max3A_234 = arith.constant true
        %reduce_max3A_235 = vector.broadcast %reduce_max3A_234 : i1 to vector<16xi1>
        %reduce_max3A_236 = arith.constant -2147483648 : i32
        %reduce_max3A_237 = vector.broadcast %reduce_max3A_236 : i32 to vector<16xi32>
        %reduce_max3A_238 = arith.xori %select_n3A, %reduce_max3A_237 : vector<16xi32>
        %reduce_max3A_239 = tpu.scan <max>, %reduce_max3A_238 masked %reduce_max3A_235 : vector<16xi32>, vector<16xi1> -> vector<16xi32>
        %reduce_max3A_240 = arith.xori %reduce_max3A_239, %reduce_max3A_237 : vector<16xi32>
        %reduce_max3A_241 = vector.extract %reduce_max3A_240[15] : i32 from vector<16xi32>
        %add3A_242 = arith.constant 16 : i32
        %add3A_243 = arith.addi %add3A_242, %reduce_max3A_232 : i32
        %dma_start3A_244 = arith.constant 0 : i32
        %dma_start3A_245 = tpu.memref_slice %arg12[%add3A_243, %dma_start3A_244] : memref<40x512xf32, #tpu.memory_space<vmem>> -> memref<1x512xf32, #tpu.memory_space<vmem>>
        %dma_start3A_246 = arith.constant 0 : i32
        %dma_start3A_247 = tpu.memref_slice %arg3[%reduce_max3A_241, %dma_start3A_246] : memref<16384x512xf32, #tpu.memory_space<hbm>> -> memref<1x512xf32, #tpu.memory_space<hbm>>
        %dma_start3A_248 = arith.constant 0 : i32
        %dma_start3A_249 = tpu.memref_slice %arg12[%add3A_243, %dma_start3A_248] : memref<40x512xf32, #tpu.memory_space<vmem>> -> memref<1x512xf32, #tpu.memory_space<vmem>>
        %dma_start3A_250 = arith.constant 0 : i32
        %dma_start3A_251 = tpu.memref_slice %arg3[%reduce_max3A_241, %dma_start3A_250] : memref<16384x512xf32, #tpu.memory_space<hbm>> -> memref<1x512xf32, #tpu.memory_space<hbm>>
        tpu.enqueue_dma source(%dma_start3A_251 : memref<1x512xf32, #tpu.memory_space<hbm>>) target(%dma_start3A_249 : memref<1x512xf32, #tpu.memory_space<vmem>>) target_semaphore(%arg19 : memref<!tpu.dma_semaphore, #tpu.memory_space<semaphore_mem>>)
        %ne3A = vector.broadcast %reduce_max3A_232 : i32 to vector<16xi32>
        %ne3A_252 = arith.cmpi ne, %iota3A, %ne3A : vector<16xi32>
        %and3A_253 = arith.andi %while3A_224, %ne3A_252 : vector<16xi1>
        %add3A_254 = arith.constant 1 : i32
        %add3A_255 = arith.addi %while3A_225, %add3A_254 : i32
        scf.yield %and3A_253, %add3A_255 : vector<16xi1>, i32
      }
      %add3A_100 = arith.addi %while3A_84#1, %while3A_99#1 : i32
      %mul3A_101 = arith.constant 40 : i32
      %mul3A_102 = arith.muli %mul3A_67, %mul3A_101 : i32
      %add3A_103 = arith.constant 24 : i32
      %add3A_104 = arith.addi %mul3A_102, %add3A_103 : i32
      %get3A_105 = arith.index_cast %add3A_104 : i32 to index
      %get3A_106 = tpu.vector_load %arg11[%get3A_105] {strides = array<i32>} : memref<2000xi32, #tpu.memory_space<vmem>>, vector<16xi32>,
      %ge3A_107 = arith.constant 0 : i32
      %ge3A_108 = vector.broadcast %ge3A_107 : i32 to vector<16xi32>
      %ge3A_109 = arith.cmpi sge, %get3A_106, %ge3A_108 : vector<16xi32>
      %ge3A_110 = arith.constant 8 : i32
      %ge3A_111 = vector.broadcast %ge3A_110 : i32 to vector<16xi32>
      %ge3A_112 = arith.cmpi sge, %iota3A, %ge3A_111 : vector<16xi32>
      %and3A_113 = arith.andi %ge3A_109, %ge3A_112 : vector<16xi1>
      %while3A_114 = arith.constant 0 : i32
      %while3A_115:2 = scf.while (%while3A_224 = %and3A_113, %while3A_225 = %while3A_114) : (vector<16xi1>, i32) -> (vector<16xi1>, i32) {
        %reduce_or3A = arith.constant 1.000000e+00 : f32
        %reduce_or3A_226 = arith.constant 0.000000e+00 : f32
        %reduce_or3A_227 = vector.broadcast %reduce_or3A : f32 to vector<16xf32>
        %reduce_or3A_228 = vector.broadcast %reduce_or3A_226 : f32 to vector<16xf32>
        %reduce_or3A_229 = arith.select %while3A_224, %reduce_or3A_227, %reduce_or3A_228 : vector<16xi1>, vector<16xf32>
        %reduce_or3A_230 = arith.constant true
        %reduce_or3A_231 = vector.broadcast %reduce_or3A_230 : i1 to vector<16xi1>
        %reduce_or3A_232 = tpu.scan <max>, %reduce_or3A_229 masked %reduce_or3A_231 : vector<16xf32>, vector<16xi1> -> vector<16xf32>
        %reduce_or3A_233 = vector.extract %reduce_or3A_232[15] : f32 from vector<16xf32>
        %reduce_or3A_234 = arith.constant 0.000000e+00 : f32
        %reduce_or3A_235 = arith.cmpf ogt, %reduce_or3A_233, %reduce_or3A_234 : f32
        scf.condition(%reduce_or3A_235) %while3A_224, %while3A_225 : vector<16xi1>, i32
      } do {
      ^bb0(%while3A_224: vector<16xi1>, %while3A_225: i32):
        %all_reduce_ffs3A = tpu.all_reduce %while3A_224 {dim = 0 : i64, kind = #tpu.reduction_kind<find_first_set>} : vector<16xi1> -> vector<16xi32>
        %reduce_max3A = arith.constant true
        %reduce_max3A_226 = vector.broadcast %reduce_max3A : i1 to vector<16xi1>
        %reduce_max3A_227 = arith.constant -2147483648 : i32
        %reduce_max3A_228 = vector.broadcast %reduce_max3A_227 : i32 to vector<16xi32>
        %reduce_max3A_229 = arith.xori %all_reduce_ffs3A, %reduce_max3A_228 : vector<16xi32>
        %reduce_max3A_230 = tpu.scan <max>, %reduce_max3A_229 masked %reduce_max3A_226 : vector<16xi32>, vector<16xi1> -> vector<16xi32>
        %reduce_max3A_231 = arith.xori %reduce_max3A_230, %reduce_max3A_228 : vector<16xi32>
        %reduce_max3A_232 = vector.extract %reduce_max3A_231[15] : i32 from vector<16xi32>
        %eq3A = vector.broadcast %reduce_max3A_232 : i32 to vector<16xi32>
        %eq3A_233 = arith.cmpi eq, %iota3A, %eq3A : vector<16xi32>
        %jit3A = arith.constant -1 : i32
        %broadcast_in_dim3A = vector.broadcast %jit3A : i32 to vector<16xi32>
        %select_n3A = arith.select %eq3A_233, %get3A_106, %broadcast_in_dim3A : vector<16xi1>, vector<16xi32>
        %reduce_max3A_234 = arith.constant true
        %reduce_max3A_235 = vector.broadcast %reduce_max3A_234 : i1 to vector<16xi1>
        %reduce_max3A_236 = arith.constant -2147483648 : i32
        %reduce_max3A_237 = vector.broadcast %reduce_max3A_236 : i32 to vector<16xi32>
        %reduce_max3A_238 = arith.xori %select_n3A, %reduce_max3A_237 : vector<16xi32>
        %reduce_max3A_239 = tpu.scan <max>, %reduce_max3A_238 masked %reduce_max3A_235 : vector<16xi32>, vector<16xi1> -> vector<16xi32>
        %reduce_max3A_240 = arith.xori %reduce_max3A_239, %reduce_max3A_237 : vector<16xi32>
        %reduce_max3A_241 = vector.extract %reduce_max3A_240[15] : i32 from vector<16xi32>
        %add3A_242 = arith.constant 24 : i32
        %add3A_243 = arith.addi %add3A_242, %reduce_max3A_232 : i32
        %dma_start3A_244 = arith.constant 0 : i32
        %dma_start3A_245 = tpu.memref_slice %arg12[%add3A_243, %dma_start3A_244] : memref<40x512xf32, #tpu.memory_space<vmem>> -> memref<1x512xf32, #tpu.memory_space<vmem>>
        %dma_start3A_246 = arith.constant 0 : i32
        %dma_start3A_247 = tpu.memref_slice %arg3[%reduce_max3A_241, %dma_start3A_246] : memref<16384x512xf32, #tpu.memory_space<hbm>> -> memref<1x512xf32, #tpu.memory_space<hbm>>
        %dma_start3A_248 = arith.constant 0 : i32
        %dma_start3A_249 = tpu.memref_slice %arg12[%add3A_243, %dma_start3A_248] : memref<40x512xf32, #tpu.memory_space<vmem>> -> memref<1x512xf32, #tpu.memory_space<vmem>>
        %dma_start3A_250 = arith.constant 0 : i32
        %dma_start3A_251 = tpu.memref_slice %arg3[%reduce_max3A_241, %dma_start3A_250] : memref<16384x512xf32, #tpu.memory_space<hbm>> -> memref<1x512xf32, #tpu.memory_space<hbm>>
        tpu.enqueue_dma source(%dma_start3A_251 : memref<1x512xf32, #tpu.memory_space<hbm>>) target(%dma_start3A_249 : memref<1x512xf32, #tpu.memory_space<vmem>>) target_semaphore(%arg19 : memref<!tpu.dma_semaphore, #tpu.memory_space<semaphore_mem>>)
        %ne3A = vector.broadcast %reduce_max3A_232 : i32 to vector<16xi32>
        %ne3A_252 = arith.cmpi ne, %iota3A, %ne3A : vector<16xi32>
        %and3A_253 = arith.andi %while3A_224, %ne3A_252 : vector<16xi1>
        %add3A_254 = arith.constant 1 : i32
        %add3A_255 = arith.addi %while3A_225, %add3A_254 : i32
        scf.yield %and3A_253, %add3A_255 : vector<16xi1>, i32
      }
      %add3A_116 = arith.addi %add3A_100, %while3A_115#1 : i32
      %while3A_117 = arith.constant 0 : i32
      %while3A_118 = arith.constant 0 : i32
      %while3A_119 = arith.subi %add3A_116, %while3A_117 : i32
      %while3A_120 = arith.addi %while3A_117, %while3A_119 : i32
      %while3A_121 = arith.constant 1 : i32
      %while3A_122 = arith.divsi %while3A_119, %while3A_121 : i32
      %while3A_123 = arith.muli %while3A_122, %while3A_121 : i32
      %while3A_124 = arith.addi %while3A_117, %while3A_123 : i32
      %while3A_125 = arith.constant 1 : i32
      %while3A_126 = scf.for %while3A_224 = %while3A_117 to %while3A_124 step %while3A_125 iter_args(%while3A_225 = %while3A_118) -> (i32)  : i32 {
        %dma_wait3A_226 = arith.constant 0 : i32
        %dma_wait3A_227 = arith.constant 0 : i32
        %dma_wait3A_228 = tpu.memref_slice %arg12[%dma_wait3A_226, %dma_wait3A_227] : memref<40x512xf32, #tpu.memory_space<vmem>> -> memref<1x512xf32, #tpu.memory_space<vmem>>
        %dma_wait3A_229 = arith.constant 0 : i32
        %dma_wait3A_230 = arith.constant 0 : i32
        %dma_wait3A_231 = tpu.memref_slice %arg3[%dma_wait3A_229, %dma_wait3A_230] : memref<16384x512xf32, #tpu.memory_space<hbm>> -> memref<1x512xf32, #tpu.memory_space<hbm>>
        %dma_wait3A_232 = arith.constant 0 : i32
        %dma_wait3A_233 = arith.constant 0 : i32
        %dma_wait3A_234 = tpu.memref_slice %arg12[%dma_wait3A_232, %dma_wait3A_233] : memref<40x512xf32, #tpu.memory_space<vmem>> -> memref<1x512xf32, #tpu.memory_space<vmem>>
        %dma_wait3A_235 = arith.constant 0 : i32
        %dma_wait3A_236 = arith.constant 0 : i32
        %dma_wait3A_237 = tpu.memref_slice %arg3[%dma_wait3A_235, %dma_wait3A_236] : memref<16384x512xf32, #tpu.memory_space<hbm>> -> memref<1x512xf32, #tpu.memory_space<hbm>>
        tpu.wait_dma2 semaphore(%arg19 : memref<!tpu.dma_semaphore, #tpu.memory_space<semaphore_mem>>) src(%dma_wait3A_237 : memref<1x512xf32, #tpu.memory_space<hbm>>) dst(%dma_wait3A_234 : memref<1x512xf32, #tpu.memory_space<vmem>>)
        %while3A_238 = arith.constant 0 : i32
        scf.yield %while3A_238 : i32
      }
      %while3A_127 = arith.constant 1 : i32
      %while3A_128 = scf.for %while3A_224 = %while3A_124 to %while3A_120 step %while3A_127 iter_args(%while3A_225 = %while3A_126) -> (i32)  : i32 {
        %dma_wait3A_226 = arith.constant 0 : i32
        %dma_wait3A_227 = arith.constant 0 : i32
        %dma_wait3A_228 = tpu.memref_slice %arg12[%dma_wait3A_226, %dma_wait3A_227] : memref<40x512xf32, #tpu.memory_space<vmem>> -> memref<1x512xf32, #tpu.memory_space<vmem>>
        %dma_wait3A_229 = arith.constant 0 : i32
        %dma_wait3A_230 = arith.constant 0 : i32
        %dma_wait3A_231 = tpu.memref_slice %arg3[%dma_wait3A_229, %dma_wait3A_230] : memref<16384x512xf32, #tpu.memory_space<hbm>> -> memref<1x512xf32, #tpu.memory_space<hbm>>
        %dma_wait3A_232 = arith.constant 0 : i32
        %dma_wait3A_233 = arith.constant 0 : i32
        %dma_wait3A_234 = tpu.memref_slice %arg12[%dma_wait3A_232, %dma_wait3A_233] : memref<40x512xf32, #tpu.memory_space<vmem>> -> memref<1x512xf32, #tpu.memory_space<vmem>>
        %dma_wait3A_235 = arith.constant 0 : i32
        %dma_wait3A_236 = arith.constant 0 : i32
        %dma_wait3A_237 = tpu.memref_slice %arg3[%dma_wait3A_235, %dma_wait3A_236] : memref<16384x512xf32, #tpu.memory_space<hbm>> -> memref<1x512xf32, #tpu.memory_space<hbm>>
        tpu.wait_dma2 semaphore(%arg19 : memref<!tpu.dma_semaphore, #tpu.memory_space<semaphore_mem>>) src(%dma_wait3A_237 : memref<1x512xf32, #tpu.memory_space<hbm>>) dst(%dma_wait3A_234 : memref<1x512xf32, #tpu.memory_space<vmem>>)
        %while3A_238 = arith.constant 0 : i32
        scf.yield %while3A_238 : i32
      }
      %mul3A_129 = arith.constant 40 : i32
      %mul3A_130 = arith.muli %mul3A_67, %mul3A_129 : i32
      %add3A_131 = arith.addi %mul3A_38, %mul3A_130 : i32
      %dma_start3A_132 = arith.constant 0 : i32
      %dma_start3A_133 = tpu.memref_slice %arg5[%add3A_131, %dma_start3A_132] : memref<64000x512xf32, #tpu.memory_space<hbm>> -> memref<40x512xf32, #tpu.memory_space<hbm>>
      %dma_start3A_134 = arith.constant 0 : i32
      %dma_start3A_135 = tpu.memref_slice %arg5[%add3A_131, %dma_start3A_134] : memref<64000x512xf32, #tpu.memory_space<hbm>> -> memref<40x512xf32, #tpu.memory_space<hbm>>
      tpu.enqueue_dma source(%arg12 : memref<40x512xf32, #tpu.memory_space<vmem>>) target(%dma_start3A_135 : memref<40x512xf32, #tpu.memory_space<hbm>>) target_semaphore(%arg17 : memref<!tpu.dma_semaphore, #tpu.memory_space<semaphore_mem>>)
      %add3A_136 = arith.constant 2 : i32
      %add3A_137 = arith.addi %mul3A_67, %add3A_136 : i32
      %lt3A = arith.constant 50 : i32
      %lt3A_138 = arith.cmpi slt, %add3A_137, %lt3A : i32
      %convert_element_type3A = arith.extui %lt3A_138 : i1 to i32
      %cond3A = arith.constant 0 : i32
      %cond3A_139 = arith.cmpi ne, %convert_element_type3A, %cond3A : i32
      scf.if %cond3A_139 {
        %dma_wait3A_224 = arith.constant 0 : i32
        %dma_wait3A_225 = tpu.memref_slice %arg5[%mul3A_38, %dma_wait3A_224] : memref<64000x512xf32, #tpu.memory_space<hbm>> -> memref<40x512xf32, #tpu.memory_space<hbm>>
        %dma_wait3A_226 = arith.constant 0 : i32
        %dma_wait3A_227 = tpu.memref_slice %arg5[%mul3A_38, %dma_wait3A_226] : memref<64000x512xf32, #tpu.memory_space<hbm>> -> memref<40x512xf32, #tpu.memory_space<hbm>>
        tpu.wait_dma2 semaphore(%arg17 : memref<!tpu.dma_semaphore, #tpu.memory_space<semaphore_mem>>) src(%arg12 : memref<40x512xf32, #tpu.memory_space<vmem>>) dst(%dma_wait3A_227 : memref<40x512xf32, #tpu.memory_space<hbm>>)
        %add3A_228 = arith.constant 2 : i32
        %add3A_229 = arith.addi %mul3A_67, %add3A_228 : i32
        %mul3A_230 = arith.constant 40 : i32
        %mul3A_231 = arith.muli %add3A_229, %mul3A_230 : i32
        %add3A_232 = arith.addi %mul3A_38, %mul3A_231 : i32
        %dma_start3A_233 = arith.constant 0 : i32
        %dma_start3A_234 = tpu.memref_slice %arg4[%add3A_232, %dma_start3A_233] : memref<64000x512xf32, #tpu.memory_space<hbm>> -> memref<40x512xf32, #tpu.memory_space<hbm>>
        %dma_start3A_235 = arith.constant 0 : i32
        %dma_start3A_236 = tpu.memref_slice %arg4[%add3A_232, %dma_start3A_235] : memref<64000x512xf32, #tpu.memory_space<hbm>> -> memref<40x512xf32, #tpu.memory_space<hbm>>
        tpu.enqueue_dma source(%dma_start3A_236 : memref<40x512xf32, #tpu.memory_space<hbm>>) target(%arg12 : memref<40x512xf32, #tpu.memory_space<vmem>>) target_semaphore(%arg15 : memref<!tpu.dma_semaphore, #tpu.memory_space<semaphore_mem>>)
      } else {
      }
      %mul3A_140 = arith.constant 2 : i32
      %mul3A_141 = arith.muli %scan3A_64, %mul3A_140 : i32
      %add3A_142 = arith.constant 1 : i32
      %add3A_143 = arith.addi %mul3A_141, %add3A_142 : i32
      %dma_wait3A_144 = arith.constant 0 : i32
      %dma_wait3A_145 = arith.constant 0 : i32
      %dma_wait3A_146 = tpu.memref_slice %arg4[%dma_wait3A_144, %dma_wait3A_145] : memref<64000x512xf32, #tpu.memory_space<hbm>> -> memref<40x512xf32, #tpu.memory_space<hbm>>
      %dma_wait3A_147 = arith.constant 0 : i32
      %dma_wait3A_148 = arith.constant 0 : i32
      %dma_wait3A_149 = tpu.memref_slice %arg4[%dma_wait3A_147, %dma_wait3A_148] : memref<64000x512xf32, #tpu.memory_space<hbm>> -> memref<40x512xf32, #tpu.memory_space<hbm>>
      tpu.wait_dma2 semaphore(%arg16 : memref<!tpu.dma_semaphore, #tpu.memory_space<semaphore_mem>>) src(%dma_wait3A_149 : memref<40x512xf32, #tpu.memory_space<hbm>>) dst(%arg13 : memref<40x512xf32, #tpu.memory_space<vmem>>)
      %mul3A_150 = arith.constant 40 : i32
      %mul3A_151 = arith.muli %add3A_143, %mul3A_150 : i32
      %add3A_152 = arith.constant 0 : i32
      %add3A_153 = arith.addi %mul3A_151, %add3A_152 : i32
      %get3A_154 = arith.index_cast %add3A_153 : i32 to index
      %get3A_155 = tpu.vector_load %arg11[%get3A_154] {strides = array<i32>} : memref<2000xi32, #tpu.memory_space<vmem>>, vector<16xi32>,
      %ge3A_156 = arith.constant 0 : i32
      %ge3A_157 = vector.broadcast %ge3A_156 : i32 to vector<16xi32>
      %ge3A_158 = arith.cmpi sge, %get3A_155, %ge3A_157 : vector<16xi32>
      %ge3A_159 = arith.constant 0 : i32
      %ge3A_160 = vector.broadcast %ge3A_159 : i32 to vector<16xi32>
      %ge3A_161 = arith.cmpi sge, %iota3A, %ge3A_160 : vector<16xi32>
      %and3A_162 = arith.andi %ge3A_158, %ge3A_161 : vector<16xi1>
      %while3A_163 = arith.constant 0 : i32
      %while3A_164:2 = scf.while (%while3A_224 = %and3A_162, %while3A_225 = %while3A_163) : (vector<16xi1>, i32) -> (vector<16xi1>, i32) {
        %reduce_or3A = arith.constant 1.000000e+00 : f32
        %reduce_or3A_226 = arith.constant 0.000000e+00 : f32
        %reduce_or3A_227 = vector.broadcast %reduce_or3A : f32 to vector<16xf32>
        %reduce_or3A_228 = vector.broadcast %reduce_or3A_226 : f32 to vector<16xf32>
        %reduce_or3A_229 = arith.select %while3A_224, %reduce_or3A_227, %reduce_or3A_228 : vector<16xi1>, vector<16xf32>
        %reduce_or3A_230 = arith.constant true
        %reduce_or3A_231 = vector.broadcast %reduce_or3A_230 : i1 to vector<16xi1>
        %reduce_or3A_232 = tpu.scan <max>, %reduce_or3A_229 masked %reduce_or3A_231 : vector<16xf32>, vector<16xi1> -> vector<16xf32>
        %reduce_or3A_233 = vector.extract %reduce_or3A_232[15] : f32 from vector<16xf32>
        %reduce_or3A_234 = arith.constant 0.000000e+00 : f32
        %reduce_or3A_235 = arith.cmpf ogt, %reduce_or3A_233, %reduce_or3A_234 : f32
        scf.condition(%reduce_or3A_235) %while3A_224, %while3A_225 : vector<16xi1>, i32
      } do {
      ^bb0(%while3A_224: vector<16xi1>, %while3A_225: i32):
        %all_reduce_ffs3A = tpu.all_reduce %while3A_224 {dim = 0 : i64, kind = #tpu.reduction_kind<find_first_set>} : vector<16xi1> -> vector<16xi32>
        %reduce_max3A = arith.constant true
        %reduce_max3A_226 = vector.broadcast %reduce_max3A : i1 to vector<16xi1>
        %reduce_max3A_227 = arith.constant -2147483648 : i32
        %reduce_max3A_228 = vector.broadcast %reduce_max3A_227 : i32 to vector<16xi32>
        %reduce_max3A_229 = arith.xori %all_reduce_ffs3A, %reduce_max3A_228 : vector<16xi32>
        %reduce_max3A_230 = tpu.scan <max>, %reduce_max3A_229 masked %reduce_max3A_226 : vector<16xi32>, vector<16xi1> -> vector<16xi32>
        %reduce_max3A_231 = arith.xori %reduce_max3A_230, %reduce_max3A_228 : vector<16xi32>
        %reduce_max3A_232 = vector.extract %reduce_max3A_231[15] : i32 from vector<16xi32>
        %eq3A = vector.broadcast %reduce_max3A_232 : i32 to vector<16xi32>
        %eq3A_233 = arith.cmpi eq, %iota3A, %eq3A : vector<16xi32>
        %jit3A = arith.constant -1 : i32
        %broadcast_in_dim3A = vector.broadcast %jit3A : i32 to vector<16xi32>
        %select_n3A = arith.select %eq3A_233, %get3A_155, %broadcast_in_dim3A : vector<16xi1>, vector<16xi32>
        %reduce_max3A_234 = arith.constant true
        %reduce_max3A_235 = vector.broadcast %reduce_max3A_234 : i1 to vector<16xi1>
        %reduce_max3A_236 = arith.constant -2147483648 : i32
        %reduce_max3A_237 = vector.broadcast %reduce_max3A_236 : i32 to vector<16xi32>
        %reduce_max3A_238 = arith.xori %select_n3A, %reduce_max3A_237 : vector<16xi32>
        %reduce_max3A_239 = tpu.scan <max>, %reduce_max3A_238 masked %reduce_max3A_235 : vector<16xi32>, vector<16xi1> -> vector<16xi32>
        %reduce_max3A_240 = arith.xori %reduce_max3A_239, %reduce_max3A_237 : vector<16xi32>
        %reduce_max3A_241 = vector.extract %reduce_max3A_240[15] : i32 from vector<16xi32>
        %add3A_242 = arith.constant 0 : i32
        %add3A_243 = arith.addi %add3A_242, %reduce_max3A_232 : i32
        %dma_start3A_244 = arith.constant 0 : i32
        %dma_start3A_245 = tpu.memref_slice %arg13[%add3A_243, %dma_start3A_244] : memref<40x512xf32, #tpu.memory_space<vmem>> -> memref<1x512xf32, #tpu.memory_space<vmem>>
        %dma_start3A_246 = arith.constant 0 : i32
        %dma_start3A_247 = tpu.memref_slice %arg3[%reduce_max3A_241, %dma_start3A_246] : memref<16384x512xf32, #tpu.memory_space<hbm>> -> memref<1x512xf32, #tpu.memory_space<hbm>>
        %dma_start3A_248 = arith.constant 0 : i32
        %dma_start3A_249 = tpu.memref_slice %arg13[%add3A_243, %dma_start3A_248] : memref<40x512xf32, #tpu.memory_space<vmem>> -> memref<1x512xf32, #tpu.memory_space<vmem>>
        %dma_start3A_250 = arith.constant 0 : i32
        %dma_start3A_251 = tpu.memref_slice %arg3[%reduce_max3A_241, %dma_start3A_250] : memref<16384x512xf32, #tpu.memory_space<hbm>> -> memref<1x512xf32, #tpu.memory_space<hbm>>
        tpu.enqueue_dma source(%dma_start3A_251 : memref<1x512xf32, #tpu.memory_space<hbm>>) target(%dma_start3A_249 : memref<1x512xf32, #tpu.memory_space<vmem>>) target_semaphore(%arg19 : memref<!tpu.dma_semaphore, #tpu.memory_space<semaphore_mem>>)
        %ne3A = vector.broadcast %reduce_max3A_232 : i32 to vector<16xi32>
        %ne3A_252 = arith.cmpi ne, %iota3A, %ne3A : vector<16xi32>
        %and3A_253 = arith.andi %while3A_224, %ne3A_252 : vector<16xi1>
        %add3A_254 = arith.constant 1 : i32
        %add3A_255 = arith.addi %while3A_225, %add3A_254 : i32
        scf.yield %and3A_253, %add3A_255 : vector<16xi1>, i32
      }
      %mul3A_165 = arith.constant 40 : i32
      %mul3A_166 = arith.muli %add3A_143, %mul3A_165 : i32
      %add3A_167 = arith.constant 16 : i32
      %add3A_168 = arith.addi %mul3A_166, %add3A_167 : i32
      %get3A_169 = arith.index_cast %add3A_168 : i32 to index
      %get3A_170 = tpu.vector_load %arg11[%get3A_169] {strides = array<i32>} : memref<2000xi32, #tpu.memory_space<vmem>>, vector<16xi32>,
      %ge3A_171 = arith.constant 0 : i32
      %ge3A_172 = vector.broadcast %ge3A_171 : i32 to vector<16xi32>
      %ge3A_173 = arith.cmpi sge, %get3A_170, %ge3A_172 : vector<16xi32>
      %ge3A_174 = arith.constant 0 : i32
      %ge3A_175 = vector.broadcast %ge3A_174 : i32 to vector<16xi32>
      %ge3A_176 = arith.cmpi sge, %iota3A, %ge3A_175 : vector<16xi32>
      %and3A_177 = arith.andi %ge3A_173, %ge3A_176 : vector<16xi1>
      %while3A_178 = arith.constant 0 : i32
      %while3A_179:2 = scf.while (%while3A_224 = %and3A_177, %while3A_225 = %while3A_178) : (vector<16xi1>, i32) -> (vector<16xi1>, i32) {
        %reduce_or3A = arith.constant 1.000000e+00 : f32
        %reduce_or3A_226 = arith.constant 0.000000e+00 : f32
        %reduce_or3A_227 = vector.broadcast %reduce_or3A : f32 to vector<16xf32>
        %reduce_or3A_228 = vector.broadcast %reduce_or3A_226 : f32 to vector<16xf32>
        %reduce_or3A_229 = arith.select %while3A_224, %reduce_or3A_227, %reduce_or3A_228 : vector<16xi1>, vector<16xf32>
        %reduce_or3A_230 = arith.constant true
        %reduce_or3A_231 = vector.broadcast %reduce_or3A_230 : i1 to vector<16xi1>
        %reduce_or3A_232 = tpu.scan <max>, %reduce_or3A_229 masked %reduce_or3A_231 : vector<16xf32>, vector<16xi1> -> vector<16xf32>
        %reduce_or3A_233 = vector.extract %reduce_or3A_232[15] : f32 from vector<16xf32>
        %reduce_or3A_234 = arith.constant 0.000000e+00 : f32
        %reduce_or3A_235 = arith.cmpf ogt, %reduce_or3A_233, %reduce_or3A_234 : f32
        scf.condition(%reduce_or3A_235) %while3A_224, %while3A_225 : vector<16xi1>, i32
      } do {
      ^bb0(%while3A_224: vector<16xi1>, %while3A_225: i32):
        %all_reduce_ffs3A = tpu.all_reduce %while3A_224 {dim = 0 : i64, kind = #tpu.reduction_kind<find_first_set>} : vector<16xi1> -> vector<16xi32>
        %reduce_max3A = arith.constant true
        %reduce_max3A_226 = vector.broadcast %reduce_max3A : i1 to vector<16xi1>
        %reduce_max3A_227 = arith.constant -2147483648 : i32
        %reduce_max3A_228 = vector.broadcast %reduce_max3A_227 : i32 to vector<16xi32>
        %reduce_max3A_229 = arith.xori %all_reduce_ffs3A, %reduce_max3A_228 : vector<16xi32>
        %reduce_max3A_230 = tpu.scan <max>, %reduce_max3A_229 masked %reduce_max3A_226 : vector<16xi32>, vector<16xi1> -> vector<16xi32>
        %reduce_max3A_231 = arith.xori %reduce_max3A_230, %reduce_max3A_228 : vector<16xi32>
        %reduce_max3A_232 = vector.extract %reduce_max3A_231[15] : i32 from vector<16xi32>
        %eq3A = vector.broadcast %reduce_max3A_232 : i32 to vector<16xi32>
        %eq3A_233 = arith.cmpi eq, %iota3A, %eq3A : vector<16xi32>
        %jit3A = arith.constant -1 : i32
        %broadcast_in_dim3A = vector.broadcast %jit3A : i32 to vector<16xi32>
        %select_n3A = arith.select %eq3A_233, %get3A_170, %broadcast_in_dim3A : vector<16xi1>, vector<16xi32>
        %reduce_max3A_234 = arith.constant true
        %reduce_max3A_235 = vector.broadcast %reduce_max3A_234 : i1 to vector<16xi1>
        %reduce_max3A_236 = arith.constant -2147483648 : i32
        %reduce_max3A_237 = vector.broadcast %reduce_max3A_236 : i32 to vector<16xi32>
        %reduce_max3A_238 = arith.xori %select_n3A, %reduce_max3A_237 : vector<16xi32>
        %reduce_max3A_239 = tpu.scan <max>, %reduce_max3A_238 masked %reduce_max3A_235 : vector<16xi32>, vector<16xi1> -> vector<16xi32>
        %reduce_max3A_240 = arith.xori %reduce_max3A_239, %reduce_max3A_237 : vector<16xi32>
        %reduce_max3A_241 = vector.extract %reduce_max3A_240[15] : i32 from vector<16xi32>
        %add3A_242 = arith.constant 16 : i32
        %add3A_243 = arith.addi %add3A_242, %reduce_max3A_232 : i32
        %dma_start3A_244 = arith.constant 0 : i32
        %dma_start3A_245 = tpu.memref_slice %arg13[%add3A_243, %dma_start3A_244] : memref<40x512xf32, #tpu.memory_space<vmem>> -> memref<1x512xf32, #tpu.memory_space<vmem>>
        %dma_start3A_246 = arith.constant 0 : i32
        %dma_start3A_247 = tpu.memref_slice %arg3[%reduce_max3A_241, %dma_start3A_246] : memref<16384x512xf32, #tpu.memory_space<hbm>> -> memref<1x512xf32, #tpu.memory_space<hbm>>
        %dma_start3A_248 = arith.constant 0 : i32
        %dma_start3A_249 = tpu.memref_slice %arg13[%add3A_243, %dma_start3A_248] : memref<40x512xf32, #tpu.memory_space<vmem>> -> memref<1x512xf32, #tpu.memory_space<vmem>>
        %dma_start3A_250 = arith.constant 0 : i32
        %dma_start3A_251 = tpu.memref_slice %arg3[%reduce_max3A_241, %dma_start3A_250] : memref<16384x512xf32, #tpu.memory_space<hbm>> -> memref<1x512xf32, #tpu.memory_space<hbm>>
        tpu.enqueue_dma source(%dma_start3A_251 : memref<1x512xf32, #tpu.memory_space<hbm>>) target(%dma_start3A_249 : memref<1x512xf32, #tpu.memory_space<vmem>>) target_semaphore(%arg19 : memref<!tpu.dma_semaphore, #tpu.memory_space<semaphore_mem>>)
        %ne3A = vector.broadcast %reduce_max3A_232 : i32 to vector<16xi32>
        %ne3A_252 = arith.cmpi ne, %iota3A, %ne3A : vector<16xi32>
        %and3A_253 = arith.andi %while3A_224, %ne3A_252 : vector<16xi1>
        %add3A_254 = arith.constant 1 : i32
        %add3A_255 = arith.addi %while3A_225, %add3A_254 : i32
        scf.yield %and3A_253, %add3A_255 : vector<16xi1>, i32
      }
      %add3A_180 = arith.addi %while3A_164#1, %while3A_179#1 : i32
      %mul3A_181 = arith.constant 40 : i32
      %mul3A_182 = arith.muli %add3A_143, %mul3A_181 : i32
      %add3A_183 = arith.constant 24 : i32
      %add3A_184 = arith.addi %mul3A_182, %add3A_183 : i32
      %get3A_185 = arith.index_cast %add3A_184 : i32 to index
      %get3A_186 = tpu.vector_load %arg11[%get3A_185] {strides = array<i32>} : memref<2000xi32, #tpu.memory_space<vmem>>, vector<16xi32>,
      %ge3A_187 = arith.constant 0 : i32
      %ge3A_188 = vector.broadcast %ge3A_187 : i32 to vector<16xi32>
      %ge3A_189 = arith.cmpi sge, %get3A_186, %ge3A_188 : vector<16xi32>
      %ge3A_190 = arith.constant 8 : i32
      %ge3A_191 = vector.broadcast %ge3A_190 : i32 to vector<16xi32>
      %ge3A_192 = arith.cmpi sge, %iota3A, %ge3A_191 : vector<16xi32>
      %and3A_193 = arith.andi %ge3A_189, %ge3A_192 : vector<16xi1>
      %while3A_194 = arith.constant 0 : i32
      %while3A_195:2 = scf.while (%while3A_224 = %and3A_193, %while3A_225 = %while3A_194) : (vector<16xi1>, i32) -> (vector<16xi1>, i32) {
        %reduce_or3A = arith.constant 1.000000e+00 : f32
        %reduce_or3A_226 = arith.constant 0.000000e+00 : f32
        %reduce_or3A_227 = vector.broadcast %reduce_or3A : f32 to vector<16xf32>
        %reduce_or3A_228 = vector.broadcast %reduce_or3A_226 : f32 to vector<16xf32>
        %reduce_or3A_229 = arith.select %while3A_224, %reduce_or3A_227, %reduce_or3A_228 : vector<16xi1>, vector<16xf32>
        %reduce_or3A_230 = arith.constant true
        %reduce_or3A_231 = vector.broadcast %reduce_or3A_230 : i1 to vector<16xi1>
        %reduce_or3A_232 = tpu.scan <max>, %reduce_or3A_229 masked %reduce_or3A_231 : vector<16xf32>, vector<16xi1> -> vector<16xf32>
        %reduce_or3A_233 = vector.extract %reduce_or3A_232[15] : f32 from vector<16xf32>
        %reduce_or3A_234 = arith.constant 0.000000e+00 : f32
        %reduce_or3A_235 = arith.cmpf ogt, %reduce_or3A_233, %reduce_or3A_234 : f32
        scf.condition(%reduce_or3A_235) %while3A_224, %while3A_225 : vector<16xi1>, i32
      } do {
      ^bb0(%while3A_224: vector<16xi1>, %while3A_225: i32):
        %all_reduce_ffs3A = tpu.all_reduce %while3A_224 {dim = 0 : i64, kind = #tpu.reduction_kind<find_first_set>} : vector<16xi1> -> vector<16xi32>
        %reduce_max3A = arith.constant true
        %reduce_max3A_226 = vector.broadcast %reduce_max3A : i1 to vector<16xi1>
        %reduce_max3A_227 = arith.constant -2147483648 : i32
        %reduce_max3A_228 = vector.broadcast %reduce_max3A_227 : i32 to vector<16xi32>
        %reduce_max3A_229 = arith.xori %all_reduce_ffs3A, %reduce_max3A_228 : vector<16xi32>
        %reduce_max3A_230 = tpu.scan <max>, %reduce_max3A_229 masked %reduce_max3A_226 : vector<16xi32>, vector<16xi1> -> vector<16xi32>
        %reduce_max3A_231 = arith.xori %reduce_max3A_230, %reduce_max3A_228 : vector<16xi32>
        %reduce_max3A_232 = vector.extract %reduce_max3A_231[15] : i32 from vector<16xi32>
        %eq3A = vector.broadcast %reduce_max3A_232 : i32 to vector<16xi32>
        %eq3A_233 = arith.cmpi eq, %iota3A, %eq3A : vector<16xi32>
        %jit3A = arith.constant -1 : i32
        %broadcast_in_dim3A = vector.broadcast %jit3A : i32 to vector<16xi32>
        %select_n3A = arith.select %eq3A_233, %get3A_186, %broadcast_in_dim3A : vector<16xi1>, vector<16xi32>
        %reduce_max3A_234 = arith.constant true
        %reduce_max3A_235 = vector.broadcast %reduce_max3A_234 : i1 to vector<16xi1>
        %reduce_max3A_236 = arith.constant -2147483648 : i32
        %reduce_max3A_237 = vector.broadcast %reduce_max3A_236 : i32 to vector<16xi32>
        %reduce_max3A_238 = arith.xori %select_n3A, %reduce_max3A_237 : vector<16xi32>
        %reduce_max3A_239 = tpu.scan <max>, %reduce_max3A_238 masked %reduce_max3A_235 : vector<16xi32>, vector<16xi1> -> vector<16xi32>
        %reduce_max3A_240 = arith.xori %reduce_max3A_239, %reduce_max3A_237 : vector<16xi32>
        %reduce_max3A_241 = vector.extract %reduce_max3A_240[15] : i32 from vector<16xi32>
        %add3A_242 = arith.constant 24 : i32
        %add3A_243 = arith.addi %add3A_242, %reduce_max3A_232 : i32
        %dma_start3A_244 = arith.constant 0 : i32
        %dma_start3A_245 = tpu.memref_slice %arg13[%add3A_243, %dma_start3A_244] : memref<40x512xf32, #tpu.memory_space<vmem>> -> memref<1x512xf32, #tpu.memory_space<vmem>>
        %dma_start3A_246 = arith.constant 0 : i32
        %dma_start3A_247 = tpu.memref_slice %arg3[%reduce_max3A_241, %dma_start3A_246] : memref<16384x512xf32, #tpu.memory_space<hbm>> -> memref<1x512xf32, #tpu.memory_space<hbm>>
        %dma_start3A_248 = arith.constant 0 : i32
        %dma_start3A_249 = tpu.memref_slice %arg13[%add3A_243, %dma_start3A_248] : memref<40x512xf32, #tpu.memory_space<vmem>> -> memref<1x512xf32, #tpu.memory_space<vmem>>
        %dma_start3A_250 = arith.constant 0 : i32
        %dma_start3A_251 = tpu.memref_slice %arg3[%reduce_max3A_241, %dma_start3A_250] : memref<16384x512xf32, #tpu.memory_space<hbm>> -> memref<1x512xf32, #tpu.memory_space<hbm>>
        tpu.enqueue_dma source(%dma_start3A_251 : memref<1x512xf32, #tpu.memory_space<hbm>>) target(%dma_start3A_249 : memref<1x512xf32, #tpu.memory_space<vmem>>) target_semaphore(%arg19 : memref<!tpu.dma_semaphore, #tpu.memory_space<semaphore_mem>>)
        %ne3A = vector.broadcast %reduce_max3A_232 : i32 to vector<16xi32>
        %ne3A_252 = arith.cmpi ne, %iota3A, %ne3A : vector<16xi32>
        %and3A_253 = arith.andi %while3A_224, %ne3A_252 : vector<16xi1>
        %add3A_254 = arith.constant 1 : i32
        %add3A_255 = arith.addi %while3A_225, %add3A_254 : i32
        scf.yield %and3A_253, %add3A_255 : vector<16xi1>, i32
      }
      %add3A_196 = arith.addi %add3A_180, %while3A_195#1 : i32
      %while3A_197 = arith.constant 0 : i32
      %while3A_198 = arith.constant 0 : i32
      %while3A_199 = arith.subi %add3A_196, %while3A_197 : i32
      %while3A_200 = arith.addi %while3A_197, %while3A_199 : i32
      %while3A_201 = arith.constant 1 : i32
      %while3A_202 = arith.divsi %while3A_199, %while3A_201 : i32
      %while3A_203 = arith.muli %while3A_202, %while3A_201 : i32
      %while3A_204 = arith.addi %while3A_197, %while3A_203 : i32
      %while3A_205 = arith.constant 1 : i32
      %while3A_206 = scf.for %while3A_224 = %while3A_197 to %while3A_204 step %while3A_205 iter_args(%while3A_225 = %while3A_198) -> (i32)  : i32 {
        %dma_wait3A_226 = arith.constant 0 : i32
        %dma_wait3A_227 = arith.constant 0 : i32
        %dma_wait3A_228 = tpu.memref_slice %arg13[%dma_wait3A_226, %dma_wait3A_227] : memref<40x512xf32, #tpu.memory_space<vmem>> -> memref<1x512xf32, #tpu.memory_space<vmem>>
        %dma_wait3A_229 = arith.constant 0 : i32
        %dma_wait3A_230 = arith.constant 0 : i32
        %dma_wait3A_231 = tpu.memref_slice %arg3[%dma_wait3A_229, %dma_wait3A_230] : memref<16384x512xf32, #tpu.memory_space<hbm>> -> memref<1x512xf32, #tpu.memory_space<hbm>>
        %dma_wait3A_232 = arith.constant 0 : i32
        %dma_wait3A_233 = arith.constant 0 : i32
        %dma_wait3A_234 = tpu.memref_slice %arg13[%dma_wait3A_232, %dma_wait3A_233] : memref<40x512xf32, #tpu.memory_space<vmem>> -> memref<1x512xf32, #tpu.memory_space<vmem>>
        %dma_wait3A_235 = arith.constant 0 : i32
        %dma_wait3A_236 = arith.constant 0 : i32
        %dma_wait3A_237 = tpu.memref_slice %arg3[%dma_wait3A_235, %dma_wait3A_236] : memref<16384x512xf32, #tpu.memory_space<hbm>> -> memref<1x512xf32, #tpu.memory_space<hbm>>
        tpu.wait_dma2 semaphore(%arg19 : memref<!tpu.dma_semaphore, #tpu.memory_space<semaphore_mem>>) src(%dma_wait3A_237 : memref<1x512xf32, #tpu.memory_space<hbm>>) dst(%dma_wait3A_234 : memref<1x512xf32, #tpu.memory_space<vmem>>)
        %while3A_238 = arith.constant 0 : i32
        scf.yield %while3A_238 : i32
      }
      %while3A_207 = arith.constant 1 : i32
      %while3A_208 = scf.for %while3A_224 = %while3A_204 to %while3A_200 step %while3A_207 iter_args(%while3A_225 = %while3A_206) -> (i32)  : i32 {
        %dma_wait3A_226 = arith.constant 0 : i32
        %dma_wait3A_227 = arith.constant 0 : i32
        %dma_wait3A_228 = tpu.memref_slice %arg13[%dma_wait3A_226, %dma_wait3A_227] : memref<40x512xf32, #tpu.memory_space<vmem>> -> memref<1x512xf32, #tpu.memory_space<vmem>>
        %dma_wait3A_229 = arith.constant 0 : i32
        %dma_wait3A_230 = arith.constant 0 : i32
        %dma_wait3A_231 = tpu.memref_slice %arg3[%dma_wait3A_229, %dma_wait3A_230] : memref<16384x512xf32, #tpu.memory_space<hbm>> -> memref<1x512xf32, #tpu.memory_space<hbm>>
        %dma_wait3A_232 = arith.constant 0 : i32
        %dma_wait3A_233 = arith.constant 0 : i32
        %dma_wait3A_234 = tpu.memref_slice %arg13[%dma_wait3A_232, %dma_wait3A_233] : memref<40x512xf32, #tpu.memory_space<vmem>> -> memref<1x512xf32, #tpu.memory_space<vmem>>
        %dma_wait3A_235 = arith.constant 0 : i32
        %dma_wait3A_236 = arith.constant 0 : i32
        %dma_wait3A_237 = tpu.memref_slice %arg3[%dma_wait3A_235, %dma_wait3A_236] : memref<16384x512xf32, #tpu.memory_space<hbm>> -> memref<1x512xf32, #tpu.memory_space<hbm>>
        tpu.wait_dma2 semaphore(%arg19 : memref<!tpu.dma_semaphore, #tpu.memory_space<semaphore_mem>>) src(%dma_wait3A_237 : memref<1x512xf32, #tpu.memory_space<hbm>>) dst(%dma_wait3A_234 : memref<1x512xf32, #tpu.memory_space<vmem>>)
        %while3A_238 = arith.constant 0 : i32
        scf.yield %while3A_238 : i32
      }
      %mul3A_209 = arith.constant 40 : i32
      %mul3A_210 = arith.muli %add3A_143, %mul3A_209 : i32
      %add3A_211 = arith.addi %mul3A_38, %mul3A_210 : i32
      %dma_start3A_212 = arith.constant 0 : i32
      %dma_start3A_213 = tpu.memref_slice %arg5[%add3A_211, %dma_start3A_212] : memref<64000x512xf32, #tpu.memory_space<hbm>> -> memref<40x512xf32, #tpu.memory_space<hbm>>
      %dma_start3A_214 = arith.constant 0 : i32
      %dma_start3A_215 = tpu.memref_slice %arg5[%add3A_211, %dma_start3A_214] : memref<64000x512xf32, #tpu.memory_space<hbm>> -> memref<40x512xf32, #tpu.memory_space<hbm>>
      tpu.enqueue_dma source(%arg13 : memref<40x512xf32, #tpu.memory_space<vmem>>) target(%dma_start3A_215 : memref<40x512xf32, #tpu.memory_space<hbm>>) target_semaphore(%arg18 : memref<!tpu.dma_semaphore, #tpu.memory_space<semaphore_mem>>)
      %add3A_216 = arith.constant 2 : i32
      %add3A_217 = arith.addi %add3A_143, %add3A_216 : i32
      %lt3A_218 = arith.constant 50 : i32
      %lt3A_219 = arith.cmpi slt, %add3A_217, %lt3A_218 : i32
      %convert_element_type3A_220 = arith.extui %lt3A_219 : i1 to i32
      %cond3A_221 = arith.constant 0 : i32
      %cond3A_222 = arith.cmpi ne, %convert_element_type3A_220, %cond3A_221 : i32
      scf.if %cond3A_222 {
        %dma_wait3A_224 = arith.constant 0 : i32
        %dma_wait3A_225 = tpu.memref_slice %arg5[%mul3A_38, %dma_wait3A_224] : memref<64000x512xf32, #tpu.memory_space<hbm>> -> memref<40x512xf32, #tpu.memory_space<hbm>>
        %dma_wait3A_226 = arith.constant 0 : i32
        %dma_wait3A_227 = tpu.memref_slice %arg5[%mul3A_38, %dma_wait3A_226] : memref<64000x512xf32, #tpu.memory_space<hbm>> -> memref<40x512xf32, #tpu.memory_space<hbm>>
        tpu.wait_dma2 semaphore(%arg18 : memref<!tpu.dma_semaphore, #tpu.memory_space<semaphore_mem>>) src(%arg13 : memref<40x512xf32, #tpu.memory_space<vmem>>) dst(%dma_wait3A_227 : memref<40x512xf32, #tpu.memory_space<hbm>>)
        %add3A_228 = arith.constant 2 : i32
        %add3A_229 = arith.addi %add3A_143, %add3A_228 : i32
        %mul3A_230 = arith.constant 40 : i32
        %mul3A_231 = arith.muli %add3A_229, %mul3A_230 : i32
        %add3A_232 = arith.addi %mul3A_38, %mul3A_231 : i32
        %dma_start3A_233 = arith.constant 0 : i32
        %dma_start3A_234 = tpu.memref_slice %arg4[%add3A_232, %dma_start3A_233] : memref<64000x512xf32, #tpu.memory_space<hbm>> -> memref<40x512xf32, #tpu.memory_space<hbm>>
        %dma_start3A_235 = arith.constant 0 : i32
        %dma_start3A_236 = tpu.memref_slice %arg4[%add3A_232, %dma_start3A_235] : memref<64000x512xf32, #tpu.memory_space<hbm>> -> memref<40x512xf32, #tpu.memory_space<hbm>>
        tpu.enqueue_dma source(%dma_start3A_236 : memref<40x512xf32, #tpu.memory_space<hbm>>) target(%arg13 : memref<40x512xf32, #tpu.memory_space<vmem>>) target_semaphore(%arg16 : memref<!tpu.dma_semaphore, #tpu.memory_space<semaphore_mem>>)
      } else {
      }
      %scan3A_223 = arith.constant 0 : i32
      scf.yield %scan3A_223 : i32
    }
    %scan3A_56 = arith.constant 25 : i32
    %dma_wait3A = arith.constant 0 : i32
    %dma_wait3A_57 = tpu.memref_slice %arg5[%mul3A_38, %dma_wait3A] : memref<64000x512xf32, #tpu.memory_space<hbm>> -> memref<40x512xf32, #tpu.memory_space<hbm>>
    %dma_wait3A_58 = arith.constant 0 : i32
    %dma_wait3A_59 = tpu.memref_slice %arg5[%mul3A_38, %dma_wait3A_58] : memref<64000x512xf32, #tpu.memory_space<hbm>> -> memref<40x512xf32, #tpu.memory_space<hbm>>
    tpu.wait_dma2 semaphore(%arg17 : memref<!tpu.dma_semaphore, #tpu.memory_space<semaphore_mem>>) src(%arg12 : memref<40x512xf32, #tpu.memory_space<vmem>>) dst(%dma_wait3A_59 : memref<40x512xf32, #tpu.memory_space<hbm>>)
    %dma_wait3A_60 = arith.constant 0 : i32
    %dma_wait3A_61 = tpu.memref_slice %arg5[%mul3A_38, %dma_wait3A_60] : memref<64000x512xf32, #tpu.memory_space<hbm>> -> memref<40x512xf32, #tpu.memory_space<hbm>>
    %dma_wait3A_62 = arith.constant 0 : i32
    %dma_wait3A_63 = tpu.memref_slice %arg5[%mul3A_38, %dma_wait3A_62] : memref<64000x512xf32, #tpu.memory_space<hbm>> -> memref<40x512xf32, #tpu.memory_space<hbm>>
    tpu.wait_dma2 semaphore(%arg18 : memref<!tpu.dma_semaphore, #tpu.memory_space<semaphore_mem>>) src(%arg13 : memref<40x512xf32, #tpu.memory_space<vmem>>) dst(%dma_wait3A_63 : memref<40x512xf32, #tpu.memory_space<hbm>>)
    return
  }
}

module attributes {stable_mosaic.version = 14 : i64} {
  func.func @_prep_body(%arg0: i32, %arg1: memref<1000x512xf32, #tpu.memory_space<vmem>>, %arg2: memref<512x512xf32, #tpu.memory_space<vmem>>, %arg3: memref<1x1x512xi32, #tpu.memory_space<vmem>>, %arg4: memref<1x1x512xi32, #tpu.memory_space<vmem>>, %arg5: memref<512x512xf32, #tpu.memory_space<vmem>>) attributes {dimension_semantics = [#tpu.dimension_semantics<arbitrary>], iteration_bounds = array<i64: 32>, scalar_prefetch = 0 : i64, scratch_operands = 0 : i64, tpu.core_type = #tpu.core_type<tc>, window_params = [{transform_indices = @transform_0, window_bounds = array<i64: 1000, 512>}, {transform_indices = @transform_1, window_bounds = array<i64: 512, 512>}, {transform_indices = @transform_2, window_bounds = array<i64: 1, 1, 512>}, {transform_indices = @transform_3, window_bounds = array<i64: 1, 1, 512>}, {transform_indices = @transform_4, window_bounds = array<i64: 512, 512>}]} {
    %get3A = arith.constant 0 : index
    %get3A_0 = arith.constant 0 : index
    %get3A_1 = vector.load %arg1[%get3A, %get3A_0] : memref<1000x512xf32, #tpu.memory_space<vmem>>, vector<1000x512xf32>
    %reduce_max3A = arith.constant dense<0xFF800000> : vector<512xf32>
    %reduce_max3A_2 = vector.multi_reduction <maximumf>, %get3A_1, %reduce_max3A [0] : vector<1000x512xf32> to vector<512xf32>
    %broadcast_in_dim3A = vector.shape_cast %reduce_max3A_2 : vector<512xf32> to vector<1x512xf32>
    %iota3A = tpu.iota {dimensions = array<i32: 0>} : vector<1000x512xi32>
    %eq3A = vector.broadcast %broadcast_in_dim3A : vector<1x512xf32> to vector<1000x512xf32>
    %eq3A_3 = arith.cmpf oeq, %get3A_1, %eq3A : vector<1000x512xf32>
    %jit3A = arith.constant 1000 : i32
    %broadcast_in_dim3A_4 = vector.broadcast %jit3A : i32 to vector<1000x512xi32>
    %select_n3A = arith.select %eq3A_3, %iota3A, %broadcast_in_dim3A_4 : vector<1000x512xi1>, vector<1000x512xi32>
    %reduce_min3A = arith.constant dense<2147483647> : vector<512xi32>
    %reduce_min3A_5 = vector.multi_reduction <minsi>, %select_n3A, %reduce_min3A [0] : vector<1000x512xi32> to vector<512xi32>
    %mul3A = arith.constant 64 : i32
    %mul3A_6 = vector.broadcast %mul3A : i32 to vector<512xi32>
    %mul3A_7 = arith.muli %reduce_min3A_5, %mul3A_6 : vector<512xi32>
    %get3A_8 = arith.constant 0 : index
    %get3A_9 = arith.constant 0 : index
    %get3A_10 = arith.constant 0 : index
    %get3A_11 = vector.load %arg3[%get3A_8, %get3A_9, %get3A_10] : memref<1x1x512xi32, #tpu.memory_space<vmem>>, vector<1x1x512xi32>
    %get3A_12 = vector.shape_cast %get3A_11 : vector<1x1x512xi32> to vector<512xi32>
    %add3A = arith.addi %mul3A_7, %get3A_12 : vector<512xi32>
    %reshape3A = vector.shape_cast %add3A : vector<512xi32> to vector<1x1x512xi32>
    %swap3A = arith.constant 0 : index
    %swap3A_13 = arith.constant 0 : index
    %swap3A_14 = arith.constant 0 : index
    %swap3A_15 = vector.load %arg4[%swap3A, %swap3A_13, %swap3A_14] : memref<1x1x512xi32, #tpu.memory_space<vmem>>, vector<1x1x512xi32>
    tpu.vector_store %arg4[%swap3A, %swap3A_13, %swap3A_14], %reshape3A {strides = array<i32>} : memref<1x1x512xi32, #tpu.memory_space<vmem>>, vector<1x1x512xi32>,
    %get3A_16 = arith.constant 0 : index
    %get3A_17 = arith.constant 0 : index
    %get3A_18 = vector.load %arg2[%get3A_16, %get3A_17] : memref<512x512xf32, #tpu.memory_space<vmem>>, vector<512x512xf32>
    %mul3A_19 = arith.mulf %get3A_18, %get3A_18 : vector<512x512xf32>
    %reduce_sum3A = arith.constant dense<0.000000e+00> : vector<512xf32>
    %reduce_sum3A_20 = vector.multi_reduction <add>, %mul3A_19, %reduce_sum3A [1] : vector<512x512xf32> to vector<512xf32>
    %broadcast_in_dim3A_21 = vector.shape_cast %reduce_sum3A_20 : vector<512xf32> to vector<512x1xf32>
    %rsqrt3A = math.rsqrt %broadcast_in_dim3A_21 : vector<512x1xf32>
    %mul3A_22 = vector.broadcast %rsqrt3A : vector<512x1xf32> to vector<512x512xf32>
    %mul3A_23 = arith.mulf %get3A_18, %mul3A_22 : vector<512x512xf32>
    %swap3A_24 = arith.constant 0 : index
    %swap3A_25 = arith.constant 0 : index
    %swap3A_26 = vector.load %arg5[%swap3A_24, %swap3A_25] : memref<512x512xf32, #tpu.memory_space<vmem>>, vector<512x512xf32>
    tpu.vector_store %arg5[%swap3A_24, %swap3A_25], %mul3A_23 {strides = array<i32>} : memref<512x512xf32, #tpu.memory_space<vmem>>, vector<512x512xf32>,
    return
  }
  func.func @transform_0(%arg0: i32) -> (i32, i32) {
    %c0_i32 = arith.constant 0 : i32
    %c0_i32_0 = arith.constant 0 : i32
    return %c0_i32, %arg0 : i32, i32
  }
  func.func @transform_1(%arg0: i32) -> (i32, i32) {
    %c0_i32 = arith.constant 0 : i32
    %c0_i32_0 = arith.constant 0 : i32
    return %arg0, %c0_i32 : i32, i32
  }
  func.func @transform_2(%arg0: i32) -> (i32, i32, i32) {
    %c0_i32 = arith.constant 0 : i32
    %c0_i32_0 = arith.constant 0 : i32
    %c0_i32_1 = arith.constant 0 : i32
    return %arg0, %c0_i32, %c0_i32_0 : i32, i32, i32
  }
  func.func @transform_3(%arg0: i32) -> (i32, i32, i32) {
    %c0_i32 = arith.constant 0 : i32
    %c0_i32_0 = arith.constant 0 : i32
    %c0_i32_1 = arith.constant 0 : i32
    return %arg0, %c0_i32, %c0_i32_0 : i32, i32, i32
  }
  func.func @transform_4(%arg0: i32) -> (i32, i32) {
    %c0_i32 = arith.constant 0 : i32
    %c0_i32_0 = arith.constant 0 : i32
    return %arg0, %c0_i32 : i32, i32
  }
}

</mosaic_0001>

<sc_bundles>
// kernel: kernel.4.cloned.1.call-start
scs
__scs_entry_jumppad:
0x0: {  	(pc) =	sbr.rel $0x88, $3  }
0x1: {  	(tag) =	ssettag $0x0;
	lr =	simm.s32 $0x1  }
0x2: {  	[smem:$0x3F9D] =	sst lr;
	_ =	strace $0xD0000000  }
0x3: {  	_ = 	snop  }
0x4: {  	_ = 	snop  }
0x5: {  	_ = 	snop  }
0x6: {  	_ = 	snop  }
0x7: {  	_ = 	snop  }
__scs_overlays_trampoline_lowered:
0x8: {  	[smem:$0x3FAC] =	sst s0  }
0x9: {  	[smem:$0x3FAD] =	sst s1  }
0xa: {  	[smem:$0x3FAE] =	sst s2  }
0xb: {  	[smem:$0x3FAF] =	sst s3  }
0xc: {  	[smem:$0x3FB0] =	sst s4  }
0xd: {  	[smem:$0x3FB1] =	sst s5  }
0xe: {  	[smem:$0x3FB2] =	sst s6  }
0xf: {  	[smem:$0x3FB3] =	sst s7  }
0x10: {  	[smem:$0x3FB4] =	sst s8  }
0x11: {  	[smem:$0x3FB5] =	sst s9;
	s0 =	simm.s32 @!p0 $0x0  }
0x12: {  	s1 =	sld [smem:$0x3F9B];
	s0 =	simm.s32 @p0 $0x1  }
0x13: {  	[smem:$0x3FB6] =	sst s0;
	s0 =	simm.s32 @!p1 $0x0  }
0x14: {  	s2 =	sld [smem:$0x3F9A];
	s0 =	simm.s32 @p1 $0x1  }
0x15: {  	[smem:$0x3FB7] =	sst s0;
	s0 =	simm.s32 @!p2 $0x0  }
0x16: {  	s3 =	sld [smem:$0x3FDB];
	s0 =	simm.s32 @p2 $0x1  }
0x17: {  	s4 =	simm.s32 $0x1BF5;
	[smem:$0x3FB9] =	sst s0  }
0x18: {  	s0 =	sld [smem:$0x3F9C];
	_ =	swait.ge [sflag:s4], $0x0  }
0x19: {  	s7 =	sld [smem:$0x3F9D]  }
0x1a: {  	s8 =	sadd.s32 $0xFFFFE003, lr  }
0x1b: {  	s9 =	sadd.s32 $0xFFFFFEF7, lr;
	s5 =	simm.s32 $0xFFFFFFFF;
	p2 =	slt.u32 s8, $0xFFFFF086  }
0x1c: {  	p1 =	slt.u32 s9, $0xF7A;
	s5 =	simm.s32 @!p2 $0x0  }
0x1d: {  	s5 =	simm.s32 @p1 $0x1;
	p0 =	seq.s32 s7, s2  }
0x1e: {  	s7 =	smul.u32 @!p0 $0xF7A, s2;
	p2 =	seq.s32 @!p0 s5, $0x0  }
0x1f: {  	s9 =	smul.u32 $0xF7A, s1;
	s8 =	simm.s32 @!p0 $0x1BF5;
	p2 =	por !p2, p0  }
0x20: {  	[sflag:s8] =	ssyncset.s32 @!p0 $0xFFFFF086;
	s6 =	sadd.s32 @!p0 s3, s7;
	s7 =	simm.s32 @!p0 $0x108  }
0x21: {  	s3 =	sadd.s32 s3, s9;
	s6 =	sadd.s32 @!p0 $0x88, s6;
	s7 =	simm.s32 @p2 $0x1082  }
0x22: {  	[simem:s7], [sflag:s8] =	dma.local @!p0 [hbm:s6], $0xF7A  }
0x23: {  	s9 =	sor.u32 $0xD0000000, s2;
	s6 =	simm.s32 $0x108;
	_ =	swait.ge @!p0 [sflag:s8], $0x0  }
0x24: {  	s3 =	sadd.s32 $0x88, s3;
	s6 =	simm.s32 @!p1 $0x1082;
	[sflag:s4] =	ssyncset.s32 $0xFFFFF086  }
0x25: {  	[simem:s6], [sflag:s4] =	dma.local [hbm:s3], $0xF7A  }
0x26: {  	[smem:$0x3F9D] =	sst s1;
	(tag) =	ssettag s2;
	_ =	strace s9  }
0x27: {  	s1 =	sld [smem:$0x3FAD]  }
0x28: {  	s2 =	sld [smem:$0x3FAE]  }
0x29: {  	s4 =	sld [smem:$0x3FB0]  }
0x2a: {  	p0 =	seq.s32 s5, $0x0;
	s5 =	sld [smem:$0x3FB1]  }
0x2b: {  	s6 =	sld [smem:$0x3FB2]  }
0x2c: {  	s7 =	sld [smem:$0x3FB3]  }
0x2d: {  	s3 =	simm.s32 $0x108;
	s8 =	sld [smem:$0x3FB4]  }
0x2e: {  	s3 =	simm.s32 @!p0 $0x1082;
	s9 =	sld [smem:$0x3FB5]  }
0x2f: {  	lr =	sadd.s32 s0, s3;
	s0 =	sld [smem:$0x3FAC]  }
0x30: {  	s3 =	sld [smem:$0x3FAF]  }
0x31: {  	[smem:$0x3FB8] =	sst s10  }
0x32: {  	s10 =	sld [smem:$0x3FB6];
	_ =	sdelay $0x3  }
0x33: {  	p0 =	seq.s32 s10, $0x1;
	s10 =	sld [smem:$0x3FB8];
	_ =	sdelay $0x3  }
0x34: {  	[smem:$0x3FB8] =	sst s10  }
0x35: {  	s10 =	sld [smem:$0x3FB7];
	_ =	sdelay $0x3  }
0x36: {  	p1 =	seq.s32 s10, $0x1;
	s10 =	sld [smem:$0x3FB8];
	_ =	sdelay $0x3  }
0x37: {  	[smem:$0x3FB8] =	sst s10  }
0x38: {  	s10 =	sld [smem:$0x3FB9]  }
0x39: {  	_ = 	snop;
	(pc) =	sbr.ind lr, $3  }
0x3a: {  	_ = 	snop  }
0x3b: {  	_ = 	snop  }
0x3c: {  	p2 =	seq.s32 s10, $0x1;
	s10 =	sld [smem:$0x3FB8]  }
0x3d: {  	_ =	shalt  }
0x3e: {  	_ =	shalt  }
0x3f: {  	_ =	shalt  }
0x40: {  	_ =	shalt  }
0x41: {  	_ =	shalt  }
0x42: {  	_ =	shalt  }
0x43: {  	_ =	shalt  }
0x44: {  	_ =	shalt  }
0x45: {  	_ =	shalt  }
0x46: {  	_ =	shalt  }
0x47: {  	_ =	shalt  }
0x48: {  	_ =	shalt  }
0x49: {  	_ =	shalt  }
0x4a: {  	_ =	shalt  }
0x4b: {  	_ =	shalt  }
0x4c: {  	_ =	shalt  }
0x4d: {  	_ =	shalt  }
0x4e: {  	_ =	shalt  }
0x4f: {  	_ =	shalt  }
0x50: {  	_ =	shalt  }
0x51: {  	_ =	shalt  }
0x52: {  	_ =	shalt  }
0x53: {  	_ =	shalt  }
0x54: {  	_ =	shalt  }
0x55: {  	_ =	shalt  }
0x56: {  	_ =	shalt  }
0x57: {  	_ =	shalt  }
0x58: {  	_ =	shalt  }
0x59: {  	_ =	shalt  }
0x5a: {  	_ =	shalt  }
0x5b: {  	_ =	shalt  }
0x5c: {  	_ =	shalt  }
0x5d: {  	_ =	shalt  }
0x5e: {  	_ =	shalt  }
0x5f: {  	_ =	shalt  }
0x60: {  	_ =	shalt  }
0x61: {  	_ =	shalt  }
0x62: {  	_ =	shalt  }
0x63: {  	_ =	shalt  }
0x64: {  	_ =	shalt  }
0x65: {  	_ =	shalt  }
0x66: {  	_ =	shalt  }
0x67: {  	_ =	shalt  }
0x68: {  	_ =	shalt  }
0x69: {  	_ =	shalt  }
0x6a: {  	_ =	shalt  }
0x6b: {  	_ =	shalt  }
0x6c: {  	_ =	shalt  }
0x6d: {  	_ =	shalt  }
0x6e: {  	_ =	shalt  }
0x6f: {  	_ =	shalt  }
0x70: {  	_ =	shalt  }
0x71: {  	_ =	shalt  }
0x72: {  	_ =	shalt  }
0x73: {  	_ =	shalt  }
0x74: {  	_ =	shalt  }
0x75: {  	_ =	shalt  }
0x76: {  	_ =	shalt  }
0x77: {  	_ =	shalt  }
0x78: {  	_ =	shalt  }
0x79: {  	_ =	shalt  }
0x7a: {  	_ =	shalt  }
0x7b: {  	_ =	shalt  }
0x7c: {  	_ =	shalt  }
0x7d: {  	_ =	shalt  }
0x7e: {  	_ =	shalt  }
0x7f: {  	_ =	shalt  }
0x80: {  	_ =	shalt  }
0x81: {  	_ =	shalt  }
0x82: {  	_ =	shalt  }
0x83: {  	_ =	shalt  }
0x84: {  	_ =	shalt  }
0x85: {  	_ =	shalt  }
0x86: {  	_ =	shalt  }
0x87: {  	_ =	shalt  }
.Lfunc_end0:
.L_simem_size_0:
called_computation_lowered:
.L_overlay_start_0:
0x88: {  	s2 =	sld [smem:$0x3FD9]  }
0x89: {  	s3 =	sld [smem:$0x3FFE];
	_ =	sdelay $0x1  }
0x8a: {  	s1 =	srdreg.scid  }
0x8b: {  	s0 =	sand.u32 $0x1, s1  }
0x8c: {  	s17 =	sshll.u32 s0, $0xA;
	s2 =	sadd.s32 s3, s2  }
0x8d: {  	s2 =	sadd.s32 s2, s17  }
0x8e: {  	[smem:$0x3FC4] =	sst s2  }
0x8f: {  	_ = 	snop  }
0x90: {  	s2 =	sld [smem:$0x3FC9]  }
0x91: {  	s18 =	sld [smem:$0x3FD0];
	(tm) =	ssettm $0x1  }
0x92: {  	s4 =	sld [smem:$0x3FFB];
	_ =	sdelay $0x3  }
0x93: {  	_ =	strace s4  }
0x94: {  	s4 =	sld [smem:$0x3FFC];
	_ =	sdelay $0x3  }
0x95: {  	_ =	strace s4  }
0x96: {  	s4 =	sld [smem:$0x3FFD];
	_ =	sdelay $0x3  }
0x97: {  	_ =	strace s4  }
0x98: {  	_ =	strace $0x8FFFFFFF  }
0x99: {  	s19 =	sld [smem:$0x3FDB];
	_ =	sdelay $0x1  }
0x9a: {  	s5 =	simm.s32 $_scs_section_size  }
0x9b: {  	s6 =	simm.s32 $_size__tile_overlayer_lowered;
	s7 =	simm.s32 $_tile_overlayer_lowered  }
0x9c: {  	s22 =	simm.s32 $0x1BFF;
	s21 =	sshll.u32 s7, $0x1;
	s4 =	sadd.s32 s5, s19  }
0x9d: {  	s8 =	simm.s32 $0x0;
	s20 =	sshll.u32 s6, $0x1;
	s6 =	sadd.s32 s21, s4  }
0x9e: {  	[timem:s8], [sflag:s22] =	dma.local [hbm:s6], s20  }
0x9f: {  	_ =	swait.ge [sflag:s22], s20  }
0xa0: {  	s5 =	ssub.s32 $0x0, s20;
	[sflag:s22] =	ssyncset.done $0x0  }
0xa1: {  	[sflag:s22] =	ssyncadd.s32 s5;
	_ =	sdelay $0x1  }
0xa2: {  	s23 =	simm.s32 $0x1B8B  }
0xa3: {  	_ =	swait.ge [sflag:s23], $0x1  }
0xa4: {  	[sflag:s23] =	ssyncset.done $0x0  }
0xa5: {  	s25 =	simm.s32 $0x1B8E;
	s24 =	sld [smem:$0x3FFE];
	[sflag:s23] =	ssyncadd.s32 $0xFFFFFFFF  }
0xa6: {  	s26 =	simm.s32 $execute0_lowered;
	[smem:$0x3FD2] =	sst s25  }
0xa7: {  	s6 =	sshll.u32 s26, $0x1;
	_ =	strace $0x80000046;
	[dreg:$0x1] =	wrdreg $0xFFFFFFFF  }
0xa8: {  	s28 =	simm.s32 $_size_execute0_lowered;
	s4 =	sadd.s32 s4, s6;
	[dreg:$0x0] =	wrdreg $0x0  }
0xa9: {  	s6 =	sshll.u32 s28, $0x1;
	[dreg:$0x2] =	wrdreg s4  }
0xaa: {  	[dreg:$0x3] =	wrdreg s6  }
0xab: {  	[dreg:$0x4] =	wrdreg $0xC0  }
0xac: {  	_ =	task [dreg:s8], $0x5FFFF  }
0xad: {  	[dreg:$0x1] =	wrdreg $0xFFFFFFFF  }
0xae: {  	[dreg:$0x0] =	wrdreg $0x60  }
0xaf: {  	[dreg:$0x2] =	wrdreg s24  }
0xb0: {  	[dreg:$0x3] =	wrdreg s2  }
0xb1: {  	[dreg:$0x4] =	wrdreg s18  }
0xb2: {  	[dreg:$0x5] =	wrdreg $0x1BE000  }
0xb3: {  	[dreg:$0x6] =	wrdreg $0x9  }
0xb4: {  	_ =	task.clear_ibuf [dreg:s8], $0x7FFFF;
	_ =	strace $0x90000046  }
0xb5: {  	s29 =	simm.s32 $0x9;
	_ =	strace $0x80000048  }
0xb6: {  	_ =	swait.ge [sflag:s29], $0x1  }
0xb7: {  	[sflag:s29] =	ssyncadd.s32 $0xFFFFFFFF  }
0xb8: {  	_ =	strace $0x90000048  }
0xb9: {  	_ =	sfence  }
0xba: {  	s30 =	sld [smem:$0x0];
	_ =	sdelay $0x2  }
0xbb: {  	s31 =	sshll.u32 s1, $0xD;
	s1 =	sshrl.u32 s1, $0x2  }
0xbc: {  	s3 =	sand.u32 $0x4000, s31;
	s1 =	sadd.s32 s1, s30  }
0xbd: {  	s0 =	sor.u32 s3, s0;
	s1 =	sshll.u32 s1, $0x11  }
0xbe: {  	s0 =	sor.u32 s1, s0  }
0xbf: {  	s0 =	sadd.s32 $0x8F2B, s0  }
0xc0: {  	[sflag:s0] =	ssyncadd.remote.s32 $0x1  }
0xc1: {  	_ =	sfence.sel $0xFFFF  }
0xc2: {  	[dreg:$0x0] =	wrdreg $0xFFFFFFFF;
	(pc) =	sbr.abs _section_cstart, $3  }
0xc3: {  	[dreg:$0x1] =	wrdreg $0xFFFFFFFF  }
0xc4: {  	_ =	task.clear_ibuf [dreg:s8], $0x2FFFF;
	_ =	strace $0x9FFFFFFF  }
0xc5: {  	(tm) =	ssettm $0x7FFFFFFF  }
tec
execute0_lowered:
.L_overlay_start_1:
0x0: {  	(tag) =	ssettag $0x1  }
0x1: {  	s0 =	rddreg [dreg:$0x0]  }
0x2: {  	s1 =	rddreg [dreg:$0x1]  }
0x3: {  	s3 =	rddreg [dreg:$0x2]  }
0x4: {  	s4 =	rddreg [dreg:$0x3]  }
0x5: {  	s5 =	simm.s32 $0x0;
	s2 =	stileid.u32;
	s6 =	srdreg.scid  }
0x6: {  	s17 =	simm.s32 $0x6;
	s19 =	simm.s32 $0xC00;
	s21 =	simm.s32 $0x11E00  }
0x7: {  	s22 =	simm.s32 $0x16E00;
	s28 =	simm.s32 $0x4;
	s29 =	simm.s32 $0x0  }
0x8: {  	[smem:$0x7FF] =	sst s5;
	s7 =	sshll.u32 s2, $0x7;
	s6 =	sand.u32 $0x1, s6  }
0x9: {  	s11 =	smul.u32 $0x3EC0, s2;
	_ =	strace $0x80000047;
	s8 =	sshll.u32 s6, $0x4  }
0xa: {  	s7 =	sadd.s32 s7, s0;
	s9 =	ssub.s32 $0x2, s6;
	s10 =	sor.u32 s2, s8  }
0xb: {  	s6 =	sadd.s32 $0xA00, s0;
	s23 =	sshrl.u32 s9, $0x1;
	s12 =	smul.u32 $0xFA000, s10  }
0xc: {  	s7 =	sadd.s32 $0x100A00, s7;
	s24 =	sshrl.u32 s11, $0x2;
	s8 =	smul.u32 $0x7D0, s10  }
0xd: {  	s0 =	ssub.s32 s9, s23;
	[dreg:$0x5] =	wrdreg s7;
	s13 =	smul.u32 $0x1F400, s10  }
0xe: {  	v0 =	vimm.s32 $0xFFEDCBA9;
	v1 =	vimm.s32 $0x87654321;
	s26 =	sadd.s32 s24, s4;
	s10 =	sshll.u32 s2, $0xA;
	s23 =	simm.s32 $0x1  }
.Ltmp0:
0xf: {  	v0 =	vunpack.c.l.s4.s8 v0;
	v1 =	vunpack.c.l.s4.s8 v1;
	s24 =	simm.s32 $0x5;
	[dreg:$0x6] =	wrdreg s26;
	(pc) =	sbr.rel .LBB2_1-.Ltmp0, $4  }
0x10: {  	vm0 =	vcmask $0x3F3C;
	v4 =	vimm.f32 $1.000000000e+00;
	s16 =	smax.u32 s0, $0x1;
	s26 =	simm.s32 $0x3;
	s30 =	sadd.s32 s8, s4  }
0x11: {  	vm1 =	vcmask $0x1F00;
	v2 =	vunpack.c.0.s8.s32 v0;
	v3 =	vunpack.c.0.s8.s32 v1;
	s25 =	sshrl.u32 s12, $0x3;
	s31 =	sadd.s32 s1, s13;
	[dreg:$0x7] =	wrdreg s30  }
0x12: {  	v4 =	vsel vm1, $0x0, v4;
	vm1 =	vcmask $0x3F20;
	v0 =	vimm.s32 $0xFFFFFFFF;
	s15 =	sadd.s32 $0x78, s8;
	s14 =	sadd.s32 s1, s25;
	[dreg:$0x8] =	wrdreg s31  }
0x13: {  	v1 =	vlaneseq.u32;
	v2 =	vcombine.low v3, v2;
	v3 =	vimm.f32 $0.0e+00;
	s25 =	simm.s32 $0x2;
	s13 =	sadd.s32 $0xA00, s14;
	s14 =	sadd.s32 $0x50, s8  }
.LBB2_38:
0x14: {  	s29 =	sadd.s32 $0x1, s29  }
0x15: {  	_ =	swait.ge [sflag:s26], $0x5000;
	p0 =	sne.s32 s29, s16  }
.Ltmp1:
0x16: {  	[sflag:s26] =	ssyncset.done $0x0;
	(pc) =	sbr.rel @!p0 .LBB2_39-.Ltmp1, $4  }
0x17: {  	[sflag:s26] =	ssyncadd.s32 $0xFFFFB000  }
0x18: {  	_ =	swait.ge [sflag:s28], $0x5000  }
0x19: {  	[sflag:s28] =	ssyncset.done $0x0  }
0x1a: {  	[sflag:s28] =	ssyncadd.s32 $0xFFFFB000  }
.LBB2_1:
0x1b: {  	s0 =	rddreg [dreg:$0x5]  }
0x1c: {  	[tilespmem:s5], [sflag:$0x6] =	stream.linear.gather [hbm4b:s0+s5], $0x400, $0x38;
	[tilespmem:$0x1CDB0] =	vst v63  }
0x1d: {  	_ =	swait.ge [sflag:s17], $0x400  }
0x1e: {  	[sflag:s17] =	ssyncset.done $0x0  }
0x1f: {  	s18 =	simm.s32 $0x0;
	s0 =	simm.s32 $0x40;
	[sflag:s17] =	ssyncadd.s32 $0xFFFFFC00  }
.LBB2_2:
0x20: {  	p0 =	sne.s32 s0, $0x3E80;
	[tilespmem:s18+$0x10600] =	vst v0;
	s18 =	smov.u32 s0;
	s0 =	sadd.s32 $0x40, s0  }
.Ltmp2:
0x21: {  	(pc) =	sbr.rel @p0 .LBB2_2-.Ltmp2, $2  }
0x22: {  	_ =	sdelay $0x2  }
0x23: {  	s18 =	sshra.s32 s18, $0x2  }
0x24: {  	[tilespmem:s18+$0x10600] =	vst v0;
	s0 =	rddreg [dreg:$0x6];
	s7 =	simm.s32 $0x10600;
	s18 =	simm.s32 $0x0  }
0x25: {  	[spmem:s0] =	stream.linear.scatter [tilespmem:s7], [sflag:$0x6], $0xFB0, $0x38;
	[tilespmem:$0x1CDB0] =	vst v63  }
0x26: {  	s20 =	sand.u32 $0xE00, s18;
	_ =	swait.ge [sflag:s17], $0xFB0  }
0x27: {  	s0 =	sand.u32 $0x70, s18;
	s18 =	sshrl.u32 s20, $0x2;
	[sflag:s17] =	ssyncset.done $0x0  }
0x28: {  	s0 =	sor.u32 s0, s18;
	[sflag:s17] =	ssyncadd.s32 $0xFFFFF050  }
0x29: {  	v5 =	vld [tilespmem:s0+$0x0];
	_ =	sdelay $0x4  }
0x2a: {  	s30 =	sadd.s32 $0x0, s10;
	v5 =	vshll.u32 v5, $0xE  }
0x2b: {  	v5 =	vadd.s32 s30, v5  }
0x2c: {  	v5 =	vadd.s32 v1, v5  }
0x2d: {  	v6 =	vxor.u32 $0x80000000, v5  }
0x2e: {  	(xrf1) =	vsort.ascd.msk.u32 $0xffff, v6, v5;
	_ =	sdelay $0xd  }
0x2f: {  	v5, _, _ =	vpop (xrf1)  }
0x30: {  	v6 =	vshra.s32 v5, $0xE  }
0x31: {  	v6 =	vxor.u32 $0xFFFE0000, v6  }
0x32: {  	v7 =	vperm.xlane v6, v2;
	_ =	sdelay $0x1  }
0x33: {  	vm2 =	vne.s32 v7, v6  }
0x34: {  	vm2 =	vmor vm2, vm0;
	_ =	sdelay $0x2  }
0x35: {  	s31 =	simm.s32 $0x40  }
0x36: {  	s20 =	sand.u32 $0xE00, s31;
	s18 =	simm.s32 $0x80;
	s0 =	simm.s32 $0x10  }
.LBB2_4:
0x37: {  	p0 =	sne.s32 s18, $0xFC0;
	s30 =	sand.u32 $0x70, s0;
	s20 =	sshrl.u32 s20, $0x2;
	v5 =	vand.u32 $0x3FFF, v5  }
0x38: {  	s20 =	sor.u32 s30, s20;
	[tilespmem:v6+s19+$0x0] =	vst.idx.msk vm2, v5  }
0x39: {  	v5 =	vld [tilespmem:s20+$0x0];
	_ =	sdelay $0x4  }
0x3a: {  	s20 =	sadd.s32 s0, s10;
	v5 =	vshll.u32 v5, $0xE  }
0x3b: {  	v5 =	vadd.s32 s20, v5  }
0x3c: {  	v5 =	vadd.s32 v1, v5  }
0x3d: {  	v6 =	vxor.u32 $0x80000000, v5  }
0x3e: {  	(xrf1) =	vsort.ascd.msk.u32 $0xffff, v6, v5;
	_ =	sdelay $0xd  }
0x3f: {  	v5, _, _ =	vpop (xrf1)  }
0x40: {  	v6 =	vshra.s32 v5, $0xE  }
0x41: {  	v6 =	vxor.u32 $0xFFFE0000, v6  }
0x42: {  	v7 =	vperm.xlane v6, v2;
	_ =	sdelay $0x1  }
0x43: {  	vm2 =	vne.s32 v7, v6  }
.Ltmp3:
0x44: {  	vm2 =	vmor vm2, vm0;
	(pc) =	sbr.rel @p0 .LBB2_4-.Ltmp3, $2  }
0x45: {  	_ =	sdelay $0x2  }
0x46: {  	s0 =	sadd.s32 $0x10, s0;
	s20 =	sand.u32 $0xE00, s18;
	s18 =	sadd.s32 $0x40, s18  }
0x47: {  	_ =	sdelay $0x3  }
0x48: {  	s18 =	sand.u32 $0x70, s0;
	s20 =	sshrl.u32 s20, $0x2;
	v5 =	vand.u32 $0x3FFF, v5  }
0x49: {  	s18 =	sor.u32 s18, s20;
	[tilespmem:v6+s19+$0x0] =	vst.idx.msk vm2, v5  }
0x4a: {  	v5 =	vld [tilespmem:s18+$0x0];
	_ =	sdelay $0x4  }
0x4b: {  	s31 =	sadd.s32 s0, s10;
	v5 =	vshll.u32 v5, $0xE  }
0x4c: {  	v5 =	vadd.s32 s31, v5  }
0x4d: {  	v5 =	vadd.s32 v1, v5  }
0x4e: {  	v6 =	vxor.u32 $0x80000000, v5  }
0x4f: {  	(xrf1) =	vsort.ascd.msk.u32 $0xffff, v6, v5;
	_ =	sdelay $0xd  }
0x50: {  	v5, _, _ =	vpop (xrf1)  }
0x51: {  	v6 =	vshra.s32 v5, $0xE  }
0x52: {  	v6 =	vxor.u32 $0xFFFE0000, v6  }
0x53: {  	v7 =	vperm.xlane v6, v2;
	_ =	sdelay $0x1  }
0x54: {  	vm2 =	vne.s32 v7, v6  }
0x55: {  	vm2 =	vmor vm2, vm0;
	_ =	sdelay $0x4  }
0x56: {  	v5 =	vand.u32 $0x3FFF, v5  }
0x57: {  	s18 =	simm.s32 $0x0;
	[tilespmem:v6+s19+$0x0] =	vst.idx.msk vm2, v5  }
0x58: {  	v5 =	vld [tilespmem:s18+$0x0];
	_ =	sdelay $0x6  }
0x59: {  	v6 =	vor.u32 s10, v1  }
0x5a: {  	s0 =	simm.s32 $0x10;
	s30 =	simm.s32 $0x80;
	s20 =	smov.u32 s10;
	v7 =	vld.idx.msk [tilespmem:v5+s19+$0x0], $0xffff;
	[tilespmem:s18+$0x400] =	vst v6  }
.LBB2_6:
0x5b: {  	p0 =	sne.s32 s30, $0xFC0;
	v8 =	vld [tilespmem:s0+$0x0];
	_ =	sdelay $0x3  }
.Ltmp4:
0x5c: {  	(pc) =	sbr.rel @p0 .LBB2_6-.Ltmp4, $4  }
0x5d: {  	vm2 =	veq.s32 v7, v6  }
0x5e: {  	s20 =	sadd.s32 $0x10, s20;
	v7 =	vnsel vm2, $0xFA00, v5;
	v5 =	vmov v8  }
0x5f: {  	v6 =	vor.u32 s20, v1;
	[tilespmem:s18+$0x800] =	vst v7;
	s18 =	smov.u32 s0  }
0x60: {  	s0 =	sshra.s32 s30, $0x2;
	s30 =	sadd.s32 $0x40, s30;
	v7 =	vld.idx.msk [tilespmem:v8+s19+$0x0], $0xffff;
	[tilespmem:s18+$0x400] =	vst v6  }
0x61: {  	v8 =	vld [tilespmem:s0+$0x0];
	_ =	sdelay $0x4  }
0x62: {  	vm2 =	veq.s32 v7, v6  }
0x63: {  	v5 =	vnsel vm2, $0xFA00, v5  }
0x64: {  	[tilespmem:s18+$0x800] =	vst v5  }
0x65: {  	v5 =	vld.idx.msk [tilespmem:v8+s19+$0x0], $0xffff;
	_ =	sdelay $0x2  }
0x66: {  	s31 =	sadd.s32 $0x10, s20  }
0x67: {  	v6 =	vor.u32 s31, v1  }
0x68: {  	p1 =	sne.s32 s2, $0x0;
	vm2 =	veq.s32 v5, v6  }
0x69: {  	p0 =	por p1, p1;
	[tilespmem:s0+$0x400] =	vst v6;
	v5 =	vnsel vm2, $0xFA00, v8  }
0x6a: {  	s20 =	simm.s32 @!p0 $0x400;
	[tilespmem:s0+$0x800] =	vst v5  }
0x6b: {  	s18 =	simm.s32 @!p1 $0x800;
	s0 =	simm.s32 @!p1 $0x80;
	[bflag:$0x0] =	sbarrier.arrive $0xFFFF  }
0x6c: {  	[spmem:s4] =	stream.indirect.scatter @!p0 [tilespmem:s20], [sflag:$0x5], $0x1, s18, s0, $0xb8;
	[tilespmem:$0x1CDB0] =	vst v63  }
0x6d: {  	s18 =	simm.s32 @!p0 $0x880;
	s20 =	simm.s32 @!p0 $0x480  }
0x6e: {  	[spmem:s4] =	stream.indirect.scatter @!p0 [tilespmem:s20], [sflag:$0x5], $0x1, s18, s0, $0xb8;
	[tilespmem:$0x1CDB0] =	vst v63  }
0x6f: {  	s18 =	simm.s32 @!p0 $0x900;
	s20 =	simm.s32 @!p0 $0x500  }
0x70: {  	[spmem:s4] =	stream.indirect.scatter @!p0 [tilespmem:s20], [sflag:$0x5], $0x1, s18, s0, $0xb8;
	[tilespmem:$0x1CDB0] =	vst v63  }
0x71: {  	s18 =	simm.s32 @!p0 $0x980;
	s20 =	simm.s32 @!p0 $0x580  }
0x72: {  	[spmem:s4] =	stream.indirect.scatter @!p0 [tilespmem:s20], [sflag:$0x5], $0x1, s18, s0, $0xb8;
	[tilespmem:$0x1CDB0] =	vst v63  }
0x73: {  	s18 =	simm.s32 @!p0 $0xA00;
	s20 =	simm.s32 @!p0 $0x600  }
0x74: {  	[spmem:s4] =	stream.indirect.scatter @!p0 [tilespmem:s20], [sflag:$0x5], $0x1, s18, s0, $0xb8;
	[tilespmem:$0x1CDB0] =	vst v63  }
0x75: {  	s18 =	simm.s32 @!p0 $0xA80;
	s20 =	simm.s32 @!p0 $0x680  }
0x76: {  	[spmem:s4] =	stream.indirect.scatter @!p0 [tilespmem:s20], [sflag:$0x5], $0x1, s18, s0, $0xb8;
	[tilespmem:$0x1CDB0] =	vst v63  }
0x77: {  	s18 =	simm.s32 @!p0 $0xB00;
	s20 =	simm.s32 @!p0 $0x700  }
0x78: {  	[spmem:s4] =	stream.indirect.scatter @!p0 [tilespmem:s20], [sflag:$0x5], $0x1, s18, s0, $0xb8;
	[tilespmem:$0x1CDB0] =	vst v63  }
0x79: {  	s30 =	simm.s32 @!p0 $0x780;
	s18 =	simm.s32 @!p0 $0xB80;
	s20 =	simm.s32 @!p0 $0x5  }
0x7a: {  	[spmem:s4] =	stream.indirect.scatter @!p0 [tilespmem:s30], [sflag:$0x5], $0x1, s18, s0, $0xb8;
	[tilespmem:$0x1CDB0] =	vst v63  }
0x7b: {  	_ =	swait.ge @!p0 [sflag:s20], $0x80  }
0x7c: {  	[sflag:s20] =	ssyncset.done @!p0 $0x0  }
0x7d: {  	[sflag:s20] =	ssyncadd.s32 @!p0 $0xFFFFFF80  }
0x7e: {  	_ =	swait.ge @!p0 [sflag:s20], $0x80  }
0x7f: {  	[sflag:s20] =	ssyncset.done @!p0 $0x0  }
0x80: {  	[sflag:s20] =	ssyncadd.s32 @!p0 $0xFFFFFF80  }
0x81: {  	_ =	swait.ge @!p0 [sflag:s20], $0x80  }
0x82: {  	[sflag:s20] =	ssyncset.done @!p0 $0x0  }
0x83: {  	[sflag:s20] =	ssyncadd.s32 @!p0 $0xFFFFFF80  }
0x84: {  	_ =	swait.ge @!p0 [sflag:s20], $0x80  }
0x85: {  	[sflag:s20] =	ssyncset.done @!p0 $0x0  }
0x86: {  	[sflag:s20] =	ssyncadd.s32 @!p0 $0xFFFFFF80  }
0x87: {  	_ =	swait.ge @!p0 [sflag:s20], $0x80  }
0x88: {  	[sflag:s20] =	ssyncset.done @!p0 $0x0  }
0x89: {  	[sflag:s20] =	ssyncadd.s32 @!p0 $0xFFFFFF80  }
0x8a: {  	_ =	swait.ge @!p0 [sflag:s20], $0x80  }
0x8b: {  	[sflag:s20] =	ssyncset.done @!p0 $0x0  }
0x8c: {  	[sflag:s20] =	ssyncadd.s32 @!p0 $0xFFFFFF80  }
0x8d: {  	_ =	swait.ge @!p0 [sflag:s20], $0x80  }
0x8e: {  	[sflag:s20] =	ssyncset.done @!p0 $0x0  }
0x8f: {  	[sflag:s20] =	ssyncadd.s32 @!p0 $0xFFFFFF80  }
0x90: {  	_ =	swait.ge @!p0 [sflag:s20], $0x80  }
0x91: {  	p2 =	sne.s32 s2, $0x1;
	s0 =	simm.s32 $0x2;
	[sflag:s20] =	ssyncset.done @!p0 $0x0  }
.LBB2_8:
0x92: {  	s30 =	simm.s32 @!p2 $0x80;
	s31 =	simm.s32 @!p2 $0x800  }
0x93: {  	[sflag:s20] =	ssyncadd.s32 @!p0 $0xFFFFFF80;
	s18 =	smov.u32 s0;
	p0 =	por p2, p2  }
0x94: {  	s0 =	sadd.s32 $0x1, s0;
	s20 =	simm.s32 @!p0 $0x400;
	[bflag:$0x0] =	sbarrier.arrive $0xFFFF  }
0x95: {  	[spmem:s4] =	stream.indirect.scatter @!p0 [tilespmem:s20], [sflag:$0x5], $0x1, s31, s30, $0xb8;
	[tilespmem:$0x1CDB0] =	vst v63  }
0x96: {  	p1 =	sne.s32 s0, $0x10;
	s20 =	simm.s32 @!p0 $0x880;
	s31 =	simm.s32 @!p0 $0x480  }
0x97: {  	[spmem:s4] =	stream.indirect.scatter @!p0 [tilespmem:s31], [sflag:$0x5], $0x1, s20, s30, $0xb8;
	[tilespmem:$0x1CDB0] =	vst v63  }
0x98: {  	s20 =	simm.s32 @!p0 $0x900;
	s31 =	simm.s32 @!p0 $0x500  }
0x99: {  	[spmem:s4] =	stream.indirect.scatter @!p0 [tilespmem:s31], [sflag:$0x5], $0x1, s20, s30, $0xb8;
	[tilespmem:$0x1CDB0] =	vst v63  }
0x9a: {  	s20 =	simm.s32 @!p0 $0x980;
	s31 =	simm.s32 @!p0 $0x580  }
0x9b: {  	[spmem:s4] =	stream.indirect.scatter @!p0 [tilespmem:s31], [sflag:$0x5], $0x1, s20, s30, $0xb8;
	[tilespmem:$0x1CDB0] =	vst v63  }
0x9c: {  	s20 =	simm.s32 @!p0 $0xA00;
	s31 =	simm.s32 @!p0 $0x600  }
0x9d: {  	[spmem:s4] =	stream.indirect.scatter @!p0 [tilespmem:s31], [sflag:$0x5], $0x1, s20, s30, $0xb8;
	[tilespmem:$0x1CDB0] =	vst v63  }
0x9e: {  	s20 =	simm.s32 @!p0 $0xA80;
	s31 =	simm.s32 @!p0 $0x680  }
0x9f: {  	[spmem:s4] =	stream.indirect.scatter @!p0 [tilespmem:s31], [sflag:$0x5], $0x1, s20, s30, $0xb8;
	[tilespmem:$0x1CDB0] =	vst v63  }
0xa0: {  	s20 =	simm.s32 @!p0 $0xB00;
	s31 =	simm.s32 @!p0 $0x700  }
0xa1: {  	[spmem:s4] =	stream.indirect.scatter @!p0 [tilespmem:s31], [sflag:$0x5], $0x1, s20, s30, $0xb8;
	[tilespmem:$0x1CDB0] =	vst v63  }
0xa2: {  	s7 =	simm.s32 @!p0 $0x780;
	s31 =	simm.s32 @!p0 $0xB80;
	s20 =	simm.s32 @!p0 $0x5  }
0xa3: {  	[spmem:s4] =	stream.indirect.scatter @!p0 [tilespmem:s7], [sflag:$0x5], $0x1, s31, s30, $0xb8;
	[tilespmem:$0x1CDB0] =	vst v63  }
0xa4: {  	_ =	swait.ge @!p0 [sflag:s20], $0x80  }
0xa5: {  	[sflag:s20] =	ssyncset.done @!p0 $0x0  }
0xa6: {  	[sflag:s20] =	ssyncadd.s32 @!p0 $0xFFFFFF80  }
0xa7: {  	_ =	swait.ge @!p0 [sflag:s20], $0x80  }
0xa8: {  	[sflag:s20] =	ssyncset.done @!p0 $0x0  }
0xa9: {  	[sflag:s20] =	ssyncadd.s32 @!p0 $0xFFFFFF80  }
0xaa: {  	_ =	swait.ge @!p0 [sflag:s20], $0x80  }
0xab: {  	[sflag:s20] =	ssyncset.done @!p0 $0x0  }
0xac: {  	[sflag:s20] =	ssyncadd.s32 @!p0 $0xFFFFFF80  }
0xad: {  	_ =	swait.ge @!p0 [sflag:s20], $0x80  }
0xae: {  	[sflag:s20] =	ssyncset.done @!p0 $0x0  }
0xaf: {  	[sflag:s20] =	ssyncadd.s32 @!p0 $0xFFFFFF80  }
0xb0: {  	_ =	swait.ge @!p0 [sflag:s20], $0x80  }
0xb1: {  	[sflag:s20] =	ssyncset.done @!p0 $0x0  }
0xb2: {  	[sflag:s20] =	ssyncadd.s32 @!p0 $0xFFFFFF80  }
0xb3: {  	_ =	swait.ge @!p0 [sflag:s20], $0x80  }
0xb4: {  	[sflag:s20] =	ssyncset.done @!p0 $0x0  }
0xb5: {  	[sflag:s20] =	ssyncadd.s32 @!p0 $0xFFFFFF80  }
.Ltmp5:
0xb6: {  	_ =	swait.ge @!p0 [sflag:s20], $0x80;
	(pc) =	sbr.rel @p1 .LBB2_8-.Ltmp5, $4  }
0xb7: {  	[sflag:s20] =	ssyncset.done @!p0 $0x0  }
0xb8: {  	[sflag:s20] =	ssyncadd.s32 @!p0 $0xFFFFFF80  }
0xb9: {  	_ =	swait.ge @!p0 [sflag:s20], $0x80  }
0xba: {  	p2 =	sne.s32 s2, s18;
	[sflag:s20] =	ssyncset.done @!p0 $0x0  }
0xbb: {  	s0 =	simm.s32 @!p2 $0x80;
	[sflag:s20] =	ssyncadd.s32 @!p0 $0xFFFFFF80;
	p0 =	por p2, p2  }
0xbc: {  	s7 =	simm.s32 @!p2 $0x800;
	s18 =	simm.s32 @!p0 $0x400;
	[bflag:$0x0] =	sbarrier.arrive $0xFFFF  }
0xbd: {  	[spmem:s4] =	stream.indirect.scatter @!p0 [tilespmem:s18], [sflag:$0x5], $0x1, s7, s0, $0xb8;
	[tilespmem:$0x1CDB0] =	vst v63  }
0xbe: {  	s7 =	simm.s32 @!p0 $0x880;
	s18 =	simm.s32 @!p0 $0x480  }
0xbf: {  	[spmem:s4] =	stream.indirect.scatter @!p0 [tilespmem:s18], [sflag:$0x5], $0x1, s7, s0, $0xb8;
	[tilespmem:$0x1CDB0] =	vst v63  }
0xc0: {  	s7 =	simm.s32 @!p0 $0x900;
	s18 =	simm.s32 @!p0 $0x500  }
0xc1: {  	[spmem:s4] =	stream.indirect.scatter @!p0 [tilespmem:s18], [sflag:$0x5], $0x1, s7, s0, $0xb8;
	[tilespmem:$0x1CDB0] =	vst v63  }
0xc2: {  	s7 =	simm.s32 @!p0 $0x980;
	s18 =	simm.s32 @!p0 $0x580  }
0xc3: {  	[spmem:s4] =	stream.indirect.scatter @!p0 [tilespmem:s18], [sflag:$0x5], $0x1, s7, s0, $0xb8;
	[tilespmem:$0x1CDB0] =	vst v63  }
0xc4: {  	s7 =	simm.s32 @!p0 $0xA00;
	s18 =	simm.s32 @!p0 $0x600  }
0xc5: {  	[spmem:s4] =	stream.indirect.scatter @!p0 [tilespmem:s18], [sflag:$0x5], $0x1, s7, s0, $0xb8;
	[tilespmem:$0x1CDB0] =	vst v63  }
0xc6: {  	s7 =	simm.s32 @!p0 $0xA80;
	s18 =	simm.s32 @!p0 $0x680  }
0xc7: {  	[spmem:s4] =	stream.indirect.scatter @!p0 [tilespmem:s18], [sflag:$0x5], $0x1, s7, s0, $0xb8;
	[tilespmem:$0x1CDB0] =	vst v63  }
0xc8: {  	s7 =	simm.s32 @!p0 $0xB00;
	s18 =	simm.s32 @!p0 $0x700  }
0xc9: {  	[spmem:s4] =	stream.indirect.scatter @!p0 [tilespmem:s18], [sflag:$0x5], $0x1, s7, s0, $0xb8;
	[tilespmem:$0x1CDB0] =	vst v63  }
0xca: {  	s20 =	simm.s32 @!p0 $0x5;
	s7 =	simm.s32 @!p0 $0xB80;
	s18 =	simm.s32 @!p0 $0x780  }
0xcb: {  	[spmem:s4] =	stream.indirect.scatter @!p0 [tilespmem:s18], [sflag:$0x5], $0x1, s7, s0, $0xb8;
	[tilespmem:$0x1CDB0] =	vst v63  }
0xcc: {  	_ =	swait.ge @!p0 [sflag:s20], $0x80  }
0xcd: {  	[sflag:s20] =	ssyncset.done @!p0 $0x0  }
0xce: {  	[sflag:s20] =	ssyncadd.s32 @!p0 $0xFFFFFF80  }
0xcf: {  	_ =	swait.ge @!p0 [sflag:s20], $0x80  }
0xd0: {  	[sflag:s20] =	ssyncset.done @!p0 $0x0  }
0xd1: {  	[sflag:s20] =	ssyncadd.s32 @!p0 $0xFFFFFF80  }
0xd2: {  	_ =	swait.ge @!p0 [sflag:s20], $0x80  }
0xd3: {  	[sflag:s20] =	ssyncset.done @!p0 $0x0  }
0xd4: {  	[sflag:s20] =	ssyncadd.s32 @!p0 $0xFFFFFF80  }
0xd5: {  	_ =	swait.ge @!p0 [sflag:s20], $0x80  }
0xd6: {  	[sflag:s20] =	ssyncset.done @!p0 $0x0  }
0xd7: {  	[sflag:s20] =	ssyncadd.s32 @!p0 $0xFFFFFF80  }
0xd8: {  	_ =	swait.ge @!p0 [sflag:s20], $0x80  }
0xd9: {  	[sflag:s20] =	ssyncset.done @!p0 $0x0  }
0xda: {  	[sflag:s20] =	ssyncadd.s32 @!p0 $0xFFFFFF80  }
0xdb: {  	_ =	swait.ge @!p0 [sflag:s20], $0x80  }
0xdc: {  	[sflag:s20] =	ssyncset.done @!p0 $0x0  }
0xdd: {  	[sflag:s20] =	ssyncadd.s32 @!p0 $0xFFFFFF80  }
0xde: {  	_ =	swait.ge @!p0 [sflag:s20], $0x80  }
0xdf: {  	[sflag:s20] =	ssyncset.done @!p0 $0x0  }
0xe0: {  	[sflag:s20] =	ssyncadd.s32 @!p0 $0xFFFFFF80  }
0xe1: {  	_ =	swait.ge @!p0 [sflag:s20], $0x80  }
0xe2: {  	[sflag:s20] =	ssyncset.done @!p0 $0x0  }
0xe3: {  	[sflag:s20] =	ssyncadd.s32 @!p0 $0xFFFFFF80  }
0xe4: {  	[bflag:$0x0] =	sbarrier.arrive $0xFFFF  }
0xe5: {  	s20 =	simm.s32 $0x11600;
	s18 =	rddreg [dreg:$0x7]  }
0xe6: {  	[tilespmem:s20], [sflag:$0x6] =	stream.linear.gather [spmem:s18], $0x7D0, $0x38;
	[tilespmem:$0x1CDB0] =	vst v63  }
0xe7: {  	_ =	swait.ge [sflag:s17], $0x7D0  }
0xe8: {  	[sflag:s17] =	ssyncset.done $0x0  }
0xe9: {  	s30 =	simm.s32 $0x0;
	s31 =	rddreg [dreg:$0x8];
	[sflag:s17] =	ssyncadd.s32 $0xFFFFF830  }
0xea: {  	[tilespmem:s21], [sflag:$0x1] =	stream.linear.gather [hbm4b:s31+s30], $0x5000, $0x38;
	[tilespmem:$0x1CDB0] =	vst v63  }
0xeb: {  	_ = 	snop  }
0xec: {  	[tilespmem:s22], [sflag:$0x2] =	stream.linear.gather [hbm4b:s13+s30], $0x5000, $0x38;
	[tilespmem:$0x1CDB0] =	vst v63  }
.LBB2_10:
0xed: {  	_ =	swait.ge [sflag:s23], $0x5000  }
0xee: {  	s31 =	smul.u32 $0x50, s30;
	[sflag:s23] =	ssyncset.done $0x0  }
0xef: {  	[sflag:s23] =	ssyncadd.s32 $0xFFFFB000  }
0xf0: {  	v5 =	vld [tilespmem:s31+$0x11600];
	_ =	sdelay $0x4  }
0xf1: {  	vm2 =	vgt.s32 v5, $0xFFFFFFFF  }
0xf2: {  	v6 =	vsel vm2, $0x3F800000, v3  }
0xf3: {  	(xrf0) =	vmax.scan.msk.f32 $0xffff, v6;
	_ =	sdelay $0x5  }
0xf4: {  	v6, _, _ =	vpop (xrf0)  }
0xf5: {  	(v2sf) =	vpush v6, $0xF;
	_ =	sdelay $0xe  }
0xf6: {  	s0 =	spop (v2sf)  }
0xf7: {  	p0 =	sgt.f32 s0, $0.0e+00  }
.Ltmp6:
0xf8: {  	_ = 	snop;
	(pc) =	sbr.rel @!p0 .LBB2_13-.Ltmp6, $2  }
0xf9: {  	_ =	sdelay $0x2  }
0xfa: {  	s0 =	simm.s32 $0x0  }
0xfb: {  	v5 =	vxor.u32 $0x80000000, v5;
	s0 =	simm.s32 $0x0  }
.LBB2_12:
0xfc: {  	v6 =	vmctz.xlane vm2;
	_ =	sdelay $0x1  }
0xfd: {  	v6 =	vxor.u32 $0x80000000, v6  }
0xfe: {  	(xrf0) =	vmax.scan.msk.u32 $0xffff, v6;
	_ =	sdelay $0x5  }
0xff: {  	v6, _, _ =	vpop (xrf0)  }
0x100: {  	(v2sf) =	vpush v6, $0xF;
	_ =	sdelay $0xe  }
0x101: {  	s7 =	spop (v2sf)  }
0x102: {  	s18 =	sxor.u32 $0x80000000, s7  }
0x103: {  	v6 =	vmov s18  }
0x104: {  	vm3 =	veq.s32 v6, v1  }
0x105: {  	v7 =	vnsel vm3, $0x7FFFFFFF, v5  }
0x106: {  	(xrf0) =	vmax.scan.msk.u32 $0xffff, v7;
	_ =	sdelay $0x3  }
0x107: {  	vm3 =	vne.s32 v6, v1  }
0x108: {  	vm2 =	vmand vm2, vm3  }
0x109: {  	v6 =	vsel vm2, $0x3F800000, v3;
	v7, _, _ =	vpop (xrf0)  }
0x10a: {  	(xrf0) =	vmax.scan.msk.f32 $0xffff, v6;
	(v2sf) =	vpush v7, $0xF;
	_ =	sdelay $0x5  }
0x10b: {  	v6, _, _ =	vpop (xrf0)  }
0x10c: {  	(v2sf) =	vpush v6, $0xF;
	_ =	sdelay $0x7  }
0x10d: {  	s11 =	spop (v2sf)  }
0x10e: {  	s9 =	sshll.u32 s7, $0x7;
	s20 =	sshll.u32 s11, $0x9;
	s18 =	sshll.u32 s11, $0x7  }
0x10f: {  	s7 =	sshll.u32 s7, $0x9;
	s20 =	sand.u32 $0xFFFFF000, s20;
	s18 =	sand.u32 $0x380, s18  }
0x110: {  	s9 =	sand.u32 $0x380, s9;
	s7 =	sand.u32 $0xFFFFF000, s7;
	s18 =	sor.u32 s18, s20  }
0x111: {  	s7 =	sor.u32 s9, s7;
	s18 =	sshrl.u32 s18, $0x3  }
0x112: {  	s7 =	sadd.s32 $0x11E00, s7;
	s9 =	sadd.s32 s6, s18  }
0x113: {  	[tilespmem:s7], [sflag:$0x5] =	stream.linear.gather [hbm4b:s9+s5], $0x80, $0x38;
	[tilespmem:$0x1CDB0] =	vst v63  }
0x114: {  	s20 =	spop (v2sf)  }
0x115: {  	s12 =	sadd.s32 $0x400, s7;
	s18 =	sadd.s32 $0x80, s9;
	p0 =	sgt.f32 s20, $0.0e+00  }
0x116: {  	[tilespmem:s12], [sflag:$0x5] =	stream.linear.gather [hbm4b:s18+s5], $0x80, $0x38;
	[tilespmem:$0x1CDB0] =	vst v63  }
.Ltmp7:
0x117: {  	_ = 	snop;
	(pc) =	sbr.rel @p0 .LBB2_12-.Ltmp7, $4  }
0x118: {  	s11 =	sadd.s32 $0x100, s9;
	s12 =	sadd.s32 $0x800, s7  }
0x119: {  	[tilespmem:s12], [sflag:$0x5] =	stream.linear.gather [hbm4b:s11+s5], $0x80, $0x38;
	[tilespmem:$0x1CDB0] =	vst v63  }
0x11a: {  	s0 =	sadd.s32 $0x1, s0;
	s9 =	sadd.s32 $0x180, s9;
	s7 =	sadd.s32 $0xC00, s7  }
0x11b: {  	[tilespmem:s7], [sflag:$0x5] =	stream.linear.gather [hbm4b:s9+s5], $0x80, $0x38;
	[tilespmem:$0x1CDB0] =	vst v63  }
.LBB2_13:
0x11c: {  	v5 =	vld [tilespmem:s31+$0x11610];
	_ =	sdelay $0x4  }
0x11d: {  	vm2 =	vgt.s32 v5, $0xFFFFFFFF  }
0x11e: {  	v6 =	vsel vm2, $0x3F800000, v3  }
0x11f: {  	(xrf0) =	vmax.scan.msk.f32 $0xffff, v6;
	_ =	sdelay $0x5  }
0x120: {  	v6, _, _ =	vpop (xrf0)  }
0x121: {  	(v2sf) =	vpush v6, $0xF;
	_ =	sdelay $0xe  }
0x122: {  	s7 =	spop (v2sf)  }
0x123: {  	p0 =	sgt.f32 s7, $0.0e+00  }
.Ltmp8:
0x124: {  	_ = 	snop;
	(pc) =	sbr.rel @!p0 .LBB2_16-.Ltmp8, $2  }
0x125: {  	_ =	sdelay $0x2  }
0x126: {  	s18 =	simm.s32 $0x0;
	s20 =	simm.s32 $0x0  }
0x127: {  	v5 =	vxor.u32 $0x80000000, v5;
	s20 =	simm.s32 $0x0  }
.LBB2_15:
0x128: {  	v6 =	vmctz.xlane vm2;
	_ =	sdelay $0x1  }
0x129: {  	v6 =	vxor.u32 $0x80000000, v6  }
0x12a: {  	(xrf0) =	vmax.scan.msk.u32 $0xffff, v6;
	_ =	sdelay $0x5  }
0x12b: {  	v6, _, _ =	vpop (xrf0)  }
0x12c: {  	(v2sf) =	vpush v6, $0xF;
	_ =	sdelay $0xe  }
0x12d: {  	s7 =	spop (v2sf)  }
0x12e: {  	s9 =	sxor.u32 $0x80000000, s7  }
0x12f: {  	v6 =	vmov s9  }
0x130: {  	vm3 =	veq.s32 v6, v1  }
0x131: {  	v7 =	vnsel vm3, $0x7FFFFFFF, v5  }
0x132: {  	(xrf0) =	vmax.scan.msk.u32 $0xffff, v7;
	_ =	sdelay $0x5  }
0x133: {  	v7, _, _ =	vpop (xrf0)  }
0x134: {  	(v2sf) =	vpush v7, $0xF  }
0x135: {  	vm3 =	vne.s32 v6, v1  }
0x136: {  	vm2 =	vmand vm2, vm3  }
0x137: {  	v6 =	vsel vm2, $0x3F800000, v3  }
0x138: {  	(xrf0) =	vmax.scan.msk.f32 $0xffff, v6;
	_ =	sdelay $0x5  }
0x139: {  	v6, _, _ =	vpop (xrf0)  }
0x13a: {  	(v2sf) =	vpush v6, $0xF;
	_ =	sdelay $0x3  }
0x13b: {  	s12 =	spop (v2sf)  }
0x13c: {  	s11 =	sshll.u32 s12, $0x9;
	s9 =	sshll.u32 s12, $0x7;
	s12 =	sshll.u32 s7, $0x7  }
0x13d: {  	s7 =	sshll.u32 s7, $0x9;
	s11 =	sand.u32 $0xFFFFF000, s11;
	s9 =	sand.u32 $0x380, s9  }
0x13e: {  	s12 =	sand.u32 $0x380, s12;
	s7 =	sand.u32 $0xFFFFF000, s7;
	s9 =	sor.u32 s9, s11  }
0x13f: {  	s7 =	sor.u32 s12, s7;
	s9 =	sshrl.u32 s9, $0x3  }
0x140: {  	s7 =	sadd.s32 $0x13E00, s7;
	s9 =	sadd.s32 s6, s9  }
0x141: {  	[tilespmem:s7], [sflag:$0x5] =	stream.linear.gather [hbm4b:s9+s5], $0x80, $0x38;
	[tilespmem:$0x1CDB0] =	vst v63  }
0x142: {  	s12 =	sadd.s32 $0x400, s7;
	s11 =	sadd.s32 $0x80, s9  }
0x143: {  	[tilespmem:s12], [sflag:$0x5] =	stream.linear.gather [hbm4b:s11+s5], $0x80, $0x38;
	[tilespmem:$0x1CDB0] =	vst v63  }
0x144: {  	s11 =	sadd.s32 $0x100, s9;
	s12 =	sadd.s32 $0x800, s7  }
0x145: {  	[tilespmem:s12], [sflag:$0x5] =	stream.linear.gather [hbm4b:s11+s5], $0x80, $0x38;
	[tilespmem:$0x1CDB0] =	vst v63  }
0x146: {  	s12 =	spop (v2sf)  }
0x147: {  	p0 =	sgt.f32 s12, $0.0e+00  }
.Ltmp9:
0x148: {  	_ = 	snop;
	(pc) =	sbr.rel @p0 .LBB2_15-.Ltmp9, $3  }
0x149: {  	_ =	sdelay $0x1  }
0x14a: {  	s20 =	sadd.s32 $0x1, s20;
	s9 =	sadd.s32 $0x180, s9;
	s7 =	sadd.s32 $0xC00, s7  }
0x14b: {  	[tilespmem:s7], [sflag:$0x5] =	stream.linear.gather [hbm4b:s9+s5], $0x80, $0x38;
	[tilespmem:$0x1CDB0] =	vst v63  }
.LBB2_16:
0x14c: {  	v5 =	vld [tilespmem:s31+$0x11618];
	_ =	sdelay $0x4  }
0x14d: {  	vm2 =	vgt.s32 v5, $0xFFFFFFFF  }
0x14e: {  	v6 =	vnsel vm2, $0x0, v4  }
0x14f: {  	(xrf0) =	vmax.scan.msk.f32 $0xffff, v6;
	_ =	sdelay $0x5  }
0x150: {  	v6, _, _ =	vpop (xrf0)  }
0x151: {  	(v2sf) =	vpush v6, $0xF;
	_ =	sdelay $0xe  }
0x152: {  	s7 =	spop (v2sf)  }
0x153: {  	p0 =	sgt.f32 s7, $0.0e+00  }
.Ltmp10:
0x154: {  	_ = 	snop;
	(pc) =	sbr.rel @!p0 .LBB2_19-.Ltmp10, $1  }
0x155: {  	_ =	sdelay $0x3  }
0x156: {  	vm2 =	vmand vm2, vm1;
	v5 =	vxor.u32 $0x80000000, v5;
	s18 =	simm.s32 $0x0  }
.LBB2_18:
0x157: {  	v6 =	vmctz.xlane vm2;
	_ =	sdelay $0x1  }
0x158: {  	v6 =	vxor.u32 $0x80000000, v6  }
0x159: {  	(xrf0) =	vmax.scan.msk.u32 $0xffff, v6;
	_ =	sdelay $0x5  }
0x15a: {  	v6, _, _ =	vpop (xrf0)  }
0x15b: {  	(v2sf) =	vpush v6, $0xF;
	_ =	sdelay $0xe  }
0x15c: {  	s7 =	spop (v2sf)  }
0x15d: {  	s9 =	sxor.u32 $0x80000000, s7  }
0x15e: {  	v6 =	vmov s9  }
0x15f: {  	vm3 =	veq.s32 v6, v1  }
0x160: {  	v7 =	vnsel vm3, $0x7FFFFFFF, v5  }
0x161: {  	(xrf0) =	vmax.scan.msk.u32 $0xffff, v7;
	_ =	sdelay $0x5  }
0x162: {  	v7, _, _ =	vpop (xrf0)  }
0x163: {  	(v2sf) =	vpush v7, $0xF  }
0x164: {  	vm3 =	vne.s32 v6, v1  }
0x165: {  	vm2 =	vmand vm2, vm3  }
0x166: {  	v6 =	vsel vm2, $0x3F800000, v3  }
0x167: {  	(xrf0) =	vmax.scan.msk.f32 $0xffff, v6;
	_ =	sdelay $0x5  }
0x168: {  	v6, _, _ =	vpop (xrf0)  }
0x169: {  	(v2sf) =	vpush v6, $0xF;
	_ =	sdelay $0x3  }
0x16a: {  	s12 =	spop (v2sf)  }
0x16b: {  	s11 =	sshll.u32 s12, $0x9;
	s9 =	sshll.u32 s12, $0x7;
	s12 =	sshll.u32 s7, $0x7  }
0x16c: {  	s7 =	sshll.u32 s7, $0x9;
	s11 =	sand.u32 $0xFFFFF000, s11;
	s9 =	sand.u32 $0x380, s9  }
0x16d: {  	s12 =	sand.u32 $0x380, s12;
	s7 =	sand.u32 $0xFFFFF000, s7;
	s9 =	sor.u32 s9, s11  }
0x16e: {  	s7 =	sor.u32 s12, s7;
	s9 =	sshrl.u32 s9, $0x3  }
0x16f: {  	s7 =	sadd.s32 $0x14E00, s7;
	s9 =	sadd.s32 s6, s9  }
0x170: {  	[tilespmem:s7], [sflag:$0x5] =	stream.linear.gather [hbm4b:s9+s5], $0x80, $0x38;
	[tilespmem:$0x1CDB0] =	vst v63  }
0x171: {  	s12 =	sadd.s32 $0x400, s7;
	s11 =	sadd.s32 $0x80, s9  }
0x172: {  	[tilespmem:s12], [sflag:$0x5] =	stream.linear.gather [hbm4b:s11+s5], $0x80, $0x38;
	[tilespmem:$0x1CDB0] =	vst v63  }
0x173: {  	s11 =	sadd.s32 $0x100, s9;
	s12 =	sadd.s32 $0x800, s7  }
0x174: {  	[tilespmem:s12], [sflag:$0x5] =	stream.linear.gather [hbm4b:s11+s5], $0x80, $0x38;
	[tilespmem:$0x1CDB0] =	vst v63  }
0x175: {  	s12 =	spop (v2sf)  }
0x176: {  	p0 =	sgt.f32 s12, $0.0e+00  }
.Ltmp11:
0x177: {  	_ = 	snop;
	(pc) =	sbr.rel @p0 .LBB2_18-.Ltmp11, $3  }
0x178: {  	_ =	sdelay $0x1  }
0x179: {  	s18 =	sadd.s32 $0x1, s18;
	s9 =	sadd.s32 $0x180, s9;
	s7 =	sadd.s32 $0xC00, s7  }
0x17a: {  	[tilespmem:s7], [sflag:$0x5] =	stream.linear.gather [hbm4b:s9+s5], $0x80, $0x38;
	[tilespmem:$0x1CDB0] =	vst v63  }
.LBB2_19:
0x17b: {  	s0 =	sadd.s32 s0, s20  }
0x17c: {  	s0 =	sadd.s32 s18, s0  }
0x17d: {  	p0 =	slt.s32 s0, $0x1  }
.Ltmp12:
0x17e: {  	_ = 	snop;
	(pc) =	sbr.rel @p0 .LBB2_23-.Ltmp12, $1  }
0x17f: {  	_ =	sdelay $0x3  }
0x180: {  	p0 =	sne.s32 s0, $0x1  }
.Ltmp13:
0x181: {  	_ = 	snop;
	(pc) =	sbr.rel @!p0 .LBB2_22-.Ltmp13, $3  }
0x182: {  	_ =	sdelay $0x1  }
0x183: {  	_ =	swait.ge [sflag:s24], $0x200  }
0x184: {  	s0 =	sadd.s32 $0xFFFFFFFF, s0;
	[sflag:s24] =	ssyncset.done $0x0  }
.LBB2_21:
0x185: {  	p0 =	sne.s32 s0, $0x1;
	s0 =	sadd.s32 $0xFFFFFFFF, s0;
	[sflag:s24] =	ssyncadd.s32 $0xFFFFFE00  }
.Ltmp14:
0x186: {  	(pc) =	sbr.rel @p0 .LBB2_21-.Ltmp14, $3  }
0x187: {  	_ =	sdelay $0x1  }
0x188: {  	_ =	swait.ge [sflag:s24], $0x200  }
0x189: {  	[sflag:s24] =	ssyncset.done $0x0  }
.LBB2_22:
0x18a: {  	[sflag:s24] =	ssyncadd.s32 $0xFFFFFE00  }
.LBB2_23:
0x18b: {  	s0 =	sadd.s32 s8, s31  }
0x18c: {  	s0 =	sshll.u32 s0, $0x6  }
0x18d: {  	p0 =	seq.s32 s30, $0x18;
	s0 =	sadd.s32 s3, s0  }
0x18e: {  	[hbm4b:s0+s5] =	stream.linear.scatter [tilespmem:s21], [sflag:$0x3], $0x5000, $0x38;
	[tilespmem:$0x1CDB0] =	vst v63  }
0x18f: {  	s0 =	simm.s32 @!p0 $0x3  }
0x190: {  	_ =	swait.ge @!p0 [sflag:s0], $0x5000  }
0x191: {  	s7 =	sadd.s32 @!p0 s31, s14;
	[sflag:s0] =	ssyncset.done @!p0 $0x0  }
0x192: {  	[sflag:s0] =	ssyncadd.s32 @!p0 $0xFFFFB000;
	s0 =	sshll.u32 @!p0 s7, $0x6  }
0x193: {  	s9 =	simm.s32 @!p0 $0x11E00;
	s7 =	simm.s32 @!p0 $0x0;
	s0 =	sadd.s32 @!p0 s1, s0  }
0x194: {  	[tilespmem:s9], [sflag:$0x1] =	stream.linear.gather @!p0 [hbm4b:s0+s7], $0x5000, $0x38;
	[tilespmem:$0x1CDB0] =	vst v63  }
0x195: {  	_ =	swait.ge [sflag:s25], $0x5000  }
0x196: {  	[sflag:s25] =	ssyncset.done $0x0  }
0x197: {  	[sflag:s25] =	ssyncadd.s32 $0xFFFFB000  }
0x198: {  	v5 =	vld [tilespmem:s31+$0x11628];
	_ =	sdelay $0x4  }
0x199: {  	vm2 =	vgt.s32 v5, $0xFFFFFFFF  }
0x19a: {  	v6 =	vsel vm2, $0x3F800000, v3  }
0x19b: {  	(xrf0) =	vmax.scan.msk.f32 $0xffff, v6;
	_ =	sdelay $0x5  }
0x19c: {  	v6, _, _ =	vpop (xrf0)  }
0x19d: {  	(v2sf) =	vpush v6, $0xF;
	_ =	sdelay $0xe  }
0x19e: {  	s20 =	spop (v2sf)  }
0x19f: {  	p1 =	sgt.f32 s20, $0.0e+00  }
.Ltmp15:
0x1a0: {  	_ = 	snop;
	(pc) =	sbr.rel @!p1 .LBB2_26-.Ltmp15, $2  }
0x1a1: {  	_ =	sdelay $0x2  }
0x1a2: {  	s18 =	simm.s32 $0x0;
	s0 =	simm.s32 $0x0  }
0x1a3: {  	v5 =	vxor.u32 $0x80000000, v5;
	s18 =	simm.s32 $0x0  }
.LBB2_25:
0x1a4: {  	v6 =	vmctz.xlane vm2;
	_ =	sdelay $0x1  }
0x1a5: {  	v6 =	vxor.u32 $0x80000000, v6  }
0x1a6: {  	(xrf0) =	vmax.scan.msk.u32 $0xffff, v6;
	_ =	sdelay $0x5  }
0x1a7: {  	v6, _, _ =	vpop (xrf0)  }
0x1a8: {  	(v2sf) =	vpush v6, $0xF;
	_ =	sdelay $0xe  }
0x1a9: {  	s7 =	spop (v2sf)  }
0x1aa: {  	s9 =	sxor.u32 $0x80000000, s7  }
0x1ab: {  	v6 =	vmov s9  }
0x1ac: {  	vm3 =	veq.s32 v6, v1  }
0x1ad: {  	v7 =	vnsel vm3, $0x7FFFFFFF, v5  }
0x1ae: {  	(xrf0) =	vmax.scan.msk.u32 $0xffff, v7;
	_ =	sdelay $0x5  }
0x1af: {  	v7, _, _ =	vpop (xrf0)  }
0x1b0: {  	(v2sf) =	vpush v7, $0xF  }
0x1b1: {  	vm3 =	vne.s32 v6, v1  }
0x1b2: {  	vm2 =	vmand vm2, vm3  }
0x1b3: {  	v6 =	vsel vm2, $0x3F800000, v3  }
0x1b4: {  	(xrf0) =	vmax.scan.msk.f32 $0xffff, v6;
	_ =	sdelay $0x5  }
0x1b5: {  	v6, _, _ =	vpop (xrf0)  }
0x1b6: {  	(v2sf) =	vpush v6, $0xF;
	_ =	sdelay $0x3  }
0x1b7: {  	s12 =	spop (v2sf)  }
0x1b8: {  	s11 =	sshll.u32 s12, $0x9;
	s9 =	sshll.u32 s12, $0x7;
	s12 =	sshll.u32 s7, $0x7  }
0x1b9: {  	s7 =	sshll.u32 s7, $0x9;
	s11 =	sand.u32 $0xFFFFF000, s11;
	s9 =	sand.u32 $0x380, s9  }
0x1ba: {  	s20 =	sand.u32 $0x380, s12;
	s7 =	sand.u32 $0xFFFFF000, s7;
	s9 =	sor.u32 s9, s11  }
0x1bb: {  	s7 =	sor.u32 s20, s7;
	s9 =	sshrl.u32 s9, $0x3  }
0x1bc: {  	s7 =	sadd.s32 $0x16E00, s7;
	s9 =	sadd.s32 s6, s9  }
0x1bd: {  	[tilespmem:s7], [sflag:$0x5] =	stream.linear.gather [hbm4b:s9+s5], $0x80, $0x38;
	[tilespmem:$0x1CDB0] =	vst v63  }
0x1be: {  	s20 =	sadd.s32 $0x400, s7;
	s12 =	sadd.s32 $0x80, s9  }
0x1bf: {  	[tilespmem:s20], [sflag:$0x5] =	stream.linear.gather [hbm4b:s12+s5], $0x80, $0x38;
	[tilespmem:$0x1CDB0] =	vst v63  }
0x1c0: {  	s12 =	sadd.s32 $0x100, s9;
	s20 =	sadd.s32 $0x800, s7  }
0x1c1: {  	[tilespmem:s20], [sflag:$0x5] =	stream.linear.gather [hbm4b:s12+s5], $0x80, $0x38;
	[tilespmem:$0x1CDB0] =	vst v63  }
0x1c2: {  	s20 =	spop (v2sf)  }
0x1c3: {  	p1 =	sgt.f32 s20, $0.0e+00  }
.Ltmp16:
0x1c4: {  	_ = 	snop;
	(pc) =	sbr.rel @p1 .LBB2_25-.Ltmp16, $3  }
0x1c5: {  	_ =	sdelay $0x1  }
0x1c6: {  	s18 =	sadd.s32 $0x1, s18;
	s9 =	sadd.s32 $0x180, s9;
	s7 =	sadd.s32 $0xC00, s7  }
0x1c7: {  	[tilespmem:s7], [sflag:$0x5] =	stream.linear.gather [hbm4b:s9+s5], $0x80, $0x38;
	[tilespmem:$0x1CDB0] =	vst v63  }
.LBB2_26:
0x1c8: {  	v5 =	vld [tilespmem:s31+$0x11638];
	_ =	sdelay $0x4  }
0x1c9: {  	vm2 =	vgt.s32 v5, $0xFFFFFFFF  }
0x1ca: {  	v6 =	vsel vm2, $0x3F800000, v3  }
0x1cb: {  	(xrf0) =	vmax.scan.msk.f32 $0xffff, v6;
	_ =	sdelay $0x5  }
0x1cc: {  	v6, _, _ =	vpop (xrf0)  }
0x1cd: {  	(v2sf) =	vpush v6, $0xF;
	_ =	sdelay $0xe  }
0x1ce: {  	s7 =	spop (v2sf)  }
0x1cf: {  	p1 =	sgt.f32 s7, $0.0e+00  }
.Ltmp17:
0x1d0: {  	_ = 	snop;
	(pc) =	sbr.rel @!p1 .LBB2_29-.Ltmp17, $1  }
0x1d1: {  	_ =	sdelay $0x3  }
0x1d2: {  	v5 =	vxor.u32 $0x80000000, v5;
	s0 =	simm.s32 $0x0  }
.LBB2_28:
0x1d3: {  	v6 =	vmctz.xlane vm2;
	_ =	sdelay $0x1  }
0x1d4: {  	v6 =	vxor.u32 $0x80000000, v6  }
0x1d5: {  	(xrf0) =	vmax.scan.msk.u32 $0xffff, v6;
	_ =	sdelay $0x5  }
0x1d6: {  	v6, _, _ =	vpop (xrf0)  }
0x1d7: {  	(v2sf) =	vpush v6, $0xF;
	_ =	sdelay $0xe  }
0x1d8: {  	s7 =	spop (v2sf)  }
0x1d9: {  	s9 =	sxor.u32 $0x80000000, s7  }
0x1da: {  	v6 =	vmov s9  }
0x1db: {  	vm3 =	veq.s32 v6, v1  }
0x1dc: {  	v7 =	vnsel vm3, $0x7FFFFFFF, v5  }
0x1dd: {  	(xrf0) =	vmax.scan.msk.u32 $0xffff, v7;
	_ =	sdelay $0x5  }
0x1de: {  	v7, _, _ =	vpop (xrf0)  }
0x1df: {  	(v2sf) =	vpush v7, $0xF  }
0x1e0: {  	vm3 =	vne.s32 v6, v1  }
0x1e1: {  	vm2 =	vmand vm2, vm3  }
0x1e2: {  	v6 =	vsel vm2, $0x3F800000, v3  }
0x1e3: {  	(xrf0) =	vmax.scan.msk.f32 $0xffff, v6;
	_ =	sdelay $0x5  }
0x1e4: {  	v6, _, _ =	vpop (xrf0)  }
0x1e5: {  	(v2sf) =	vpush v6, $0xF;
	_ =	sdelay $0x3  }
0x1e6: {  	s12 =	spop (v2sf)  }
0x1e7: {  	s11 =	sshll.u32 s12, $0x9;
	s9 =	sshll.u32 s12, $0x7;
	s12 =	sshll.u32 s7, $0x7  }
0x1e8: {  	s7 =	sshll.u32 s7, $0x9;
	s11 =	sand.u32 $0xFFFFF000, s11;
	s9 =	sand.u32 $0x380, s9  }
0x1e9: {  	s20 =	sand.u32 $0x380, s12;
	s7 =	sand.u32 $0xFFFFF000, s7;
	s9 =	sor.u32 s9, s11  }
0x1ea: {  	s7 =	sor.u32 s20, s7;
	s9 =	sshrl.u32 s9, $0x3  }
0x1eb: {  	s7 =	sadd.s32 $0x18E00, s7;
	s9 =	sadd.s32 s6, s9  }
0x1ec: {  	[tilespmem:s7], [sflag:$0x5] =	stream.linear.gather [hbm4b:s9+s5], $0x80, $0x38;
	[tilespmem:$0x1CDB0] =	vst v63  }
0x1ed: {  	s20 =	sadd.s32 $0x400, s7;
	s12 =	sadd.s32 $0x80, s9  }
0x1ee: {  	[tilespmem:s20], [sflag:$0x5] =	stream.linear.gather [hbm4b:s12+s5], $0x80, $0x38;
	[tilespmem:$0x1CDB0] =	vst v63  }
0x1ef: {  	s12 =	sadd.s32 $0x100, s9;
	s20 =	sadd.s32 $0x800, s7  }
0x1f0: {  	[tilespmem:s20], [sflag:$0x5] =	stream.linear.gather [hbm4b:s12+s5], $0x80, $0x38;
	[tilespmem:$0x1CDB0] =	vst v63  }
0x1f1: {  	s20 =	spop (v2sf)  }
0x1f2: {  	p1 =	sgt.f32 s20, $0.0e+00  }
.Ltmp18:
0x1f3: {  	_ = 	snop;
	(pc) =	sbr.rel @p1 .LBB2_28-.Ltmp18, $3  }
0x1f4: {  	_ =	sdelay $0x1  }
0x1f5: {  	s0 =	sadd.s32 $0x1, s0;
	s9 =	sadd.s32 $0x180, s9;
	s7 =	sadd.s32 $0xC00, s7  }
0x1f6: {  	[tilespmem:s7], [sflag:$0x5] =	stream.linear.gather [hbm4b:s9+s5], $0x80, $0x38;
	[tilespmem:$0x1CDB0] =	vst v63  }
.LBB2_29:
0x1f7: {  	v5 =	vld [tilespmem:s31+$0x11640];
	_ =	sdelay $0x4  }
0x1f8: {  	vm2 =	vgt.s32 v5, $0xFFFFFFFF  }
0x1f9: {  	v6 =	vnsel vm2, $0x0, v4  }
0x1fa: {  	(xrf0) =	vmax.scan.msk.f32 $0xffff, v6;
	_ =	sdelay $0x5  }
0x1fb: {  	v6, _, _ =	vpop (xrf0)  }
0x1fc: {  	(v2sf) =	vpush v6, $0xF;
	_ =	sdelay $0xe  }
0x1fd: {  	s7 =	spop (v2sf)  }
0x1fe: {  	p1 =	sgt.f32 s7, $0.0e+00  }
.Ltmp19:
0x1ff: {  	_ = 	snop;
	(pc) =	sbr.rel @!p1 .LBB2_32-.Ltmp19, $2  }
0x200: {  	_ =	sdelay $0x2  }
0x201: {  	s20 =	simm.s32 $0x0  }
0x202: {  	vm2 =	vmand vm2, vm1;
	v5 =	vxor.u32 $0x80000000, v5;
	s20 =	simm.s32 $0x0  }
.LBB2_31:
0x203: {  	v6 =	vmctz.xlane vm2;
	_ =	sdelay $0x1  }
0x204: {  	v6 =	vxor.u32 $0x80000000, v6  }
0x205: {  	(xrf0) =	vmax.scan.msk.u32 $0xffff, v6;
	_ =	sdelay $0x5  }
0x206: {  	v6, _, _ =	vpop (xrf0)  }
0x207: {  	(v2sf) =	vpush v6, $0xF;
	_ =	sdelay $0xe  }
0x208: {  	s7 =	spop (v2sf)  }
0x209: {  	s9 =	sxor.u32 $0x80000000, s7  }
0x20a: {  	v6 =	vmov s9  }
0x20b: {  	vm3 =	veq.s32 v6, v1  }
0x20c: {  	v7 =	vnsel vm3, $0x7FFFFFFF, v5  }
0x20d: {  	(xrf0) =	vmax.scan.msk.u32 $0xffff, v7;
	_ =	sdelay $0x5  }
0x20e: {  	v7, _, _ =	vpop (xrf0)  }
0x20f: {  	(v2sf) =	vpush v7, $0xF  }
0x210: {  	vm3 =	vne.s32 v6, v1  }
0x211: {  	vm2 =	vmand vm2, vm3  }
0x212: {  	v6 =	vsel vm2, $0x3F800000, v3  }
0x213: {  	(xrf0) =	vmax.scan.msk.f32 $0xffff, v6;
	_ =	sdelay $0x5  }
0x214: {  	v6, _, _ =	vpop (xrf0)  }
0x215: {  	(v2sf) =	vpush v6, $0xF;
	_ =	sdelay $0x3  }
0x216: {  	s12 =	spop (v2sf)  }
0x217: {  	s11 =	sshll.u32 s12, $0x9;
	s9 =	sshll.u32 s12, $0x7;
	s12 =	sshll.u32 s7, $0x7  }
0x218: {  	s7 =	sshll.u32 s7, $0x9;
	s11 =	sand.u32 $0xFFFFF000, s11;
	s9 =	sand.u32 $0x380, s9  }
0x219: {  	s12 =	sand.u32 $0x380, s12;
	s7 =	sand.u32 $0xFFFFF000, s7;
	s9 =	sor.u32 s9, s11  }
0x21a: {  	s7 =	sor.u32 s12, s7;
	s9 =	sshrl.u32 s9, $0x3  }
0x21b: {  	s7 =	sadd.s32 $0x19E00, s7;
	s9 =	sadd.s32 s6, s9  }
0x21c: {  	[tilespmem:s7], [sflag:$0x5] =	stream.linear.gather [hbm4b:s9+s5], $0x80, $0x38;
	[tilespmem:$0x1CDB0] =	vst v63  }
0x21d: {  	s12 =	sadd.s32 $0x400, s7;
	s11 =	sadd.s32 $0x80, s9  }
0x21e: {  	[tilespmem:s12], [sflag:$0x5] =	stream.linear.gather [hbm4b:s11+s5], $0x80, $0x38;
	[tilespmem:$0x1CDB0] =	vst v63  }
0x21f: {  	s11 =	sadd.s32 $0x100, s9;
	s12 =	sadd.s32 $0x800, s7  }
0x220: {  	[tilespmem:s12], [sflag:$0x5] =	stream.linear.gather [hbm4b:s11+s5], $0x80, $0x38;
	[tilespmem:$0x1CDB0] =	vst v63  }
0x221: {  	s12 =	spop (v2sf)  }
0x222: {  	p1 =	sgt.f32 s12, $0.0e+00  }
.Ltmp20:
0x223: {  	_ = 	snop;
	(pc) =	sbr.rel @p1 .LBB2_31-.Ltmp20, $3  }
0x224: {  	_ =	sdelay $0x1  }
0x225: {  	s20 =	sadd.s32 $0x1, s20;
	s9 =	sadd.s32 $0x180, s9;
	s7 =	sadd.s32 $0xC00, s7  }
0x226: {  	[tilespmem:s7], [sflag:$0x5] =	stream.linear.gather [hbm4b:s9+s5], $0x80, $0x38;
	[tilespmem:$0x1CDB0] =	vst v63  }
.LBB2_32:
0x227: {  	s0 =	sadd.s32 s18, s0  }
0x228: {  	s0 =	sadd.s32 s20, s0  }
0x229: {  	p1 =	slt.s32 s0, $0x1  }
.Ltmp21:
0x22a: {  	_ = 	snop;
	(pc) =	sbr.rel @p1 .LBB2_36-.Ltmp21, $1  }
0x22b: {  	_ =	sdelay $0x3  }
0x22c: {  	p1 =	sne.s32 s0, $0x1  }
.Ltmp22:
0x22d: {  	_ = 	snop;
	(pc) =	sbr.rel @!p1 .LBB2_35-.Ltmp22, $3  }
0x22e: {  	_ =	sdelay $0x1  }
0x22f: {  	_ =	swait.ge [sflag:s24], $0x200  }
0x230: {  	s0 =	sadd.s32 $0xFFFFFFFF, s0;
	[sflag:s24] =	ssyncset.done $0x0  }
.LBB2_34:
0x231: {  	p1 =	sne.s32 s0, $0x1;
	s0 =	sadd.s32 $0xFFFFFFFF, s0;
	[sflag:s24] =	ssyncadd.s32 $0xFFFFFE00  }
.Ltmp23:
0x232: {  	(pc) =	sbr.rel @p1 .LBB2_34-.Ltmp23, $3  }
0x233: {  	_ =	sdelay $0x1  }
0x234: {  	_ =	swait.ge [sflag:s24], $0x200  }
0x235: {  	[sflag:s24] =	ssyncset.done $0x0  }
.LBB2_35:
0x236: {  	[sflag:s24] =	ssyncadd.s32 $0xFFFFFE00  }
.LBB2_36:
.Ltmp24:
0x237: {  	s0 =	sadd.s32 $0x28, s31;
	(pc) =	sbr.rel @p0 .LBB2_38-.Ltmp24, $4  }
0x238: {  	s0 =	sadd.s32 s8, s0  }
0x239: {  	s0 =	sshll.u32 s0, $0x6  }
0x23a: {  	s0 =	sadd.s32 s3, s0  }
0x23b: {  	[hbm4b:s0+s5] =	stream.linear.scatter [tilespmem:s22], [sflag:$0x4], $0x5000, $0x38;
	[tilespmem:$0x1CDB0] =	vst v63  }
.Ltmp25:
0x23c: {  	(pc) =	sbr.rel .LBB2_10-.Ltmp25, $4  }
0x23d: {  	_ =	swait.ge [sflag:s28], $0x5000;
	s0 =	sadd.s32 s31, s15  }
0x23e: {  	[sflag:s28] =	ssyncset.done $0x0;
	s0 =	sshll.u32 s0, $0x6  }
0x23f: {  	s30 =	sadd.s32 $0x1, s30;
	[sflag:s28] =	ssyncadd.s32 $0xFFFFB000;
	s0 =	sadd.s32 s1, s0  }
0x240: {  	[tilespmem:s22], [sflag:$0x2] =	stream.linear.gather [hbm4b:s0+s5], $0x5000, $0x38;
	[tilespmem:$0x1CDB0] =	vst v63  }
.LBB2_39:
0x241: {  	_ =	sfence.sel $0x180000  }
0x242: {  	[bflag:$0x0] =	sbarrier.arrive $0xFFFF  }
0x243: {  	_ =	strace $0x90000047  }
0x244: {  	[bflag:$0x2] =	sbarrier.arrive $0xFFFF  }
0x245: {  	p0 =	sne.s32 s2, $0x0;
	s0 =	rddreg [dreg:$0x4]  }
0x246: {  	s0 =	sadd.s32 @!p0 $0x100000, s0  }
0x247: {  	[sflag:s0] =	ssyncadd.tile.s32 @!p0 $0x1;
	_ =	shalt  }
.Lfunc_end2:
_tile_overlayer_lowered:
.L_overlay_start_2:
0x248: {  	(tag) =	ssettag $0x2  }
0x249: {  	s0 =	rddreg [dreg:$0x0];
	s2 =	stileid.u32  }
0x24a: {  	s1 =	rddreg [dreg:$0x1];
	p0 =	sne.s32 s2, $0x0  }
0x24b: {  	s3 =	rddreg [dreg:$0x2];
	[bflag:$0x3] =	sbarrier.arrive $0xFFFF;
	s2 =	simm.s32 @!p0 $0x1C06  }
0x24c: {  	[timem:s3], [sflag:s2] =	dma.local @!p0 [hbm:s0], s1  }
0x24d: {  	s0 =	simm.s32 @!p0 $0x6  }
0x24e: {  	_ =	swait.ge @!p0 [sflag:s0], s1  }
0x24f: {  	s1 =	ssub.s32 @!p0 $0x0, s1;
	[sflag:s0] =	ssyncset.done @!p0 $0x0  }
0x250: {  	[sflag:s0] =	ssyncadd.s32 @!p0 s1  }
0x251: {  	[bflag:$0x3] =	sbarrier.arrive $0xFFFF  }
0x252: {  	_ =	shalt  }

</sc_bundles>
